<compile_context>
chip_gen: v7x
topology: tpu7x:2x2x1
jax: 0.10.2.dev20260603
libtpu: 0.0.44.dev20260713+nightly
codegen_flags: <defaults>
</compile_context>

<pallas_src>
import functools

import jax
import jax.numpy as jnp
from jax import lax
from jax.experimental import pallas as pl
from jax.experimental.pallas import tpu as pltpu
from jax.experimental.pallas import tpu_sc as plsc

_NC = 2
_NS = 16
_NW = _NC * _NS

_CHUNK = 16
_NBUF = 4


def _l2norm_rows(x_ref, o_ref):
    x = x_ref[...]
    n = jnp.sqrt(jnp.sum(x * x, axis=-1, keepdims=True))
    o_ref[...] = x / jnp.maximum(n, 1e-12)


def _normalize_table(table):
    v, d = table.shape
    blk = 2048
    return pl.pallas_call(
        _l2norm_rows,
        out_shape=jax.ShapeDtypeStruct((v, d), table.dtype),
        grid=(v // blk,),
        in_specs=[pl.BlockSpec((blk, d), lambda i: (i, 0))],
        out_specs=pl.BlockSpec((blk, d), lambda i: (i, 0)),
    )(table)


def _sc_gather(table, idx):
    (b,) = idx.shape
    v, d = table.shape
    b_per_w = b // _NW
    nchunks = b_per_w // _CHUNK
    mesh = plsc.VectorSubcoreMesh(core_axis_name="c", subcore_axis_name="s")

    @functools.partial(
        pl.kernel,
        mesh=mesh,
        out_type=jax.ShapeDtypeStruct((b, d), table.dtype),
        scratch_types=(
            [pltpu.VMEM((b_per_w,), jnp.int32)]
            + [pltpu.VMEM((_CHUNK, d), jnp.float32) for _ in range(_NBUF)]
            + [pltpu.SemaphoreType.DMA for _ in range(_NBUF)]
        ),
    )
    def gather_kernel(table_hbm, idx_hbm, out_hbm, idx_v, *bufs_sems):
        bufs = bufs_sems[:_NBUF]
        gsems = bufs_sems[_NBUF:]
        wid = lax.axis_index("s") * _NC + lax.axis_index("c")
        base = wid * b_per_w
        pltpu.sync_copy(idx_hbm.at[pl.ds(base, b_per_w)], idx_v)

        def start_gather(chunk, b):
            pltpu.async_copy(
                table_hbm.at[idx_v.at[pl.ds(chunk * _CHUNK, _CHUNK)]],
                bufs[b], gsems[b],
            )

        def wait_gather(chunk, b):
            pltpu.make_async_copy(
                table_hbm.at[idx_v.at[pl.ds(chunk * _CHUNK, _CHUNK)]],
                bufs[b], gsems[b],
            ).wait()

        def write_out(chunk, b):
            pltpu.sync_copy(
                bufs[b], out_hbm.at[pl.ds(base + chunk * _CHUNK, _CHUNK)]
            )

        for b in range(_NBUF):
            start_gather(b, b)

        @pl.loop(0, nchunks - _NBUF, step=_NBUF)
        def _(j):
            for b in range(_NBUF):
                chunk = j + b
                wait_gather(chunk, b)
                write_out(chunk, b)
                start_gather(chunk + _NBUF, b)

        for b in range(_NBUF):
            chunk = nchunks - _NBUF + b
            wait_gather(chunk, b)
            write_out(chunk, b)

    return gather_kernel(table, idx)


def kernel(positions, pos_embeds):
    d = pos_embeds.shape[1]
    table_n = _normalize_table(pos_embeds)
    out = _sc_gather(table_n, positions.reshape(-1))
    return out.reshape(positions.shape + (d,))

# --- scband reference (transcript-rebuilt; emitter-appended) ---
"""Pipeline reference for scband-sinusoidal-embedding-23725399343223 (READ-ONLY COPY).

The authoritative reference and input builder live on the scoring server;
editing this copy changes nothing except your own understanding.
"""

import jax, jax.numpy as jnp
import numpy as np
import math

N_CTX = 8192
DIMS = 1024

def _build_table():
    position = np.arange(0, N_CTX, dtype=np.float32)[:, None]
    div_term = np.exp(np.arange(0, DIMS, 2, dtype=np.float32) * -(math.log(10000.0) / DIMS))
    features = np.zeros((N_CTX, DIMS), dtype=np.float32)
    features[:, 0::2] = np.sin(position * div_term)
    features[:, 1::2] = np.cos(position * div_term)
    return jnp.asarray(features)

def setup_inputs(seed: int = 0) -> dict:
    key = jax.random.key(seed)
    positions = jax.random.randint(key, (4, 8192), 0, N_CTX, dtype=jnp.int32)
    pos_embeds = _build_table()
    return {"positions": positions, "pos_embeds": pos_embeds}

def reference(positions, pos_embeds):
    # gather: pos_embeds[positions]
    emb = jnp.take(pos_embeds, positions, axis=0)
    # F.normalize(p=2, dim=-1): x / max(||x||_2, eps)
    norm = jnp.sqrt(jnp.sum(emb * emb, axis=-1, keepdims=True))
    return emb / jnp.maximum(norm, 1e-12)

if __name__ == "__main__":
    import jax
    _d = setup_inputs()
    print(jax.jit(kernel)(*tuple(_d.values())))

</pallas_src>

<mosaic_0001>
#map = affine_map<(d0, d1) -> (0, 0)>
#map1 = affine_map<(d0, d1) -> (0)>
module attributes {stable_mosaic.version = 14 : i64} {
  func.func @gather_kernel(%arg0: i32, %arg1: i32, %arg2: memref<8192x1024xf32, #tpu.memory_space<hbm>>, %arg3: memref<32768xi32, #tpu.memory_space<hbm>>, %arg4: memref<32768x1024xf32, #tpu.memory_space<hbm>>, %arg5: memref<1024xi32, #tpu.memory_space<vmem>>, %arg6: memref<16x1024xf32, #tpu.memory_space<vmem>>, %arg7: memref<16x1024xf32, #tpu.memory_space<vmem>>, %arg8: memref<16x1024xf32, #tpu.memory_space<vmem>>, %arg9: memref<16x1024xf32, #tpu.memory_space<vmem>>, %arg10: memref<!tpu.dma_semaphore, #tpu.memory_space<semaphore_mem>>, %arg11: memref<!tpu.dma_semaphore, #tpu.memory_space<semaphore_mem>>, %arg12: memref<!tpu.dma_semaphore, #tpu.memory_space<semaphore_mem>>, %arg13: memref<!tpu.dma_semaphore, #tpu.memory_space<semaphore_mem>>) attributes {dimension_semantics = [#tpu.dimension_semantics<core_parallel>, #tpu.dimension_semantics<subcore_parallel>], iteration_bounds = array<i64: 2, 16>, scalar_prefetch = 0 : i64, scratch_operands = 9 : i64, tpu.core_type = #tpu.core_type<sc_vector_subcore>, window_params = [{transform_indices = #map}, {transform_indices = #map1}, {transform_indices = #map}]} {
    %mul3A = arith.constant 2 : i32
    %mul3A_0 = arith.muli %arg1, %mul3A : i32
    %add3A = arith.addi %mul3A_0, %arg0 : i32
    %mul3A_1 = arith.constant 1024 : i32
    %mul3A_2 = arith.muli %add3A, %mul3A_1 : i32
    "tpu.region"() ({
      %run_scoped3A = tpu.sem_alloc : memref<!tpu.dma_semaphore, #tpu.memory_space<semaphore_mem>>
      %dma_start3A_53 = tpu.memref_slice %arg3[%mul3A_2] : memref<32768xi32, #tpu.memory_space<hbm>> -> memref<1024xi32, #tpu.memory_space<hbm>>
      %dma_start3A_54 = tpu.memref_slice %arg3[%mul3A_2] : memref<32768xi32, #tpu.memory_space<hbm>> -> memref<1024xi32, #tpu.memory_space<hbm>>
      tpu.enqueue_dma source(%dma_start3A_54 : memref<1024xi32, #tpu.memory_space<hbm>>) target(%arg5 : memref<1024xi32, #tpu.memory_space<vmem>>) target_semaphore(%run_scoped3A : memref<!tpu.dma_semaphore, #tpu.memory_space<semaphore_mem>>)
      %dma_wait3A_55 = tpu.memref_slice %arg3[%mul3A_2] : memref<32768xi32, #tpu.memory_space<hbm>> -> memref<1024xi32, #tpu.memory_space<hbm>>
      %dma_wait3A_56 = tpu.memref_slice %arg3[%mul3A_2] : memref<32768xi32, #tpu.memory_space<hbm>> -> memref<1024xi32, #tpu.memory_space<hbm>>
      tpu.wait_dma2 semaphore(%run_scoped3A : memref<!tpu.dma_semaphore, #tpu.memory_space<semaphore_mem>>) src(%dma_wait3A_56 : memref<1024xi32, #tpu.memory_space<hbm>>) dst(%arg5 : memref<1024xi32, #tpu.memory_space<vmem>>)
      tpu.yield
    }) : () -> ()
    %dma_start3A = arith.constant 0 : i32
    %dma_start3A_3 = tpu.memref_slice %arg5[%dma_start3A] : memref<1024xi32, #tpu.memory_space<vmem>> -> memref<16xi32, #tpu.memory_space<vmem>>
    %dma_start3A_4 = arith.constant 0 : i32
    %dma_start3A_5 = arith.constant 0 : i32
    %dma_start3A_6 = tpu.memref_slice %arg2[%dma_start3A_4, %dma_start3A_5] : memref<8192x1024xf32, #tpu.memory_space<hbm>> -> memref<8192x1024xf32, #tpu.memory_space<hbm>>
    tpu.enqueue_indirect_dma source(%dma_start3A_6 : memref<8192x1024xf32, #tpu.memory_space<hbm>>) target(%arg6 : memref<16x1024xf32, #tpu.memory_space<vmem>>) offsets(%dma_start3A_3 : memref<16xi32, #tpu.memory_space<vmem>>) semaphore(%arg10 : memref<!tpu.dma_semaphore, #tpu.memory_space<semaphore_mem>>)
    %dma_start3A_7 = arith.constant 16 : i32
    %dma_start3A_8 = tpu.memref_slice %arg5[%dma_start3A_7] : memref<1024xi32, #tpu.memory_space<vmem>> -> memref<16xi32, #tpu.memory_space<vmem>>
    %dma_start3A_9 = arith.constant 0 : i32
    %dma_start3A_10 = arith.constant 0 : i32
    %dma_start3A_11 = tpu.memref_slice %arg2[%dma_start3A_9, %dma_start3A_10] : memref<8192x1024xf32, #tpu.memory_space<hbm>> -> memref<8192x1024xf32, #tpu.memory_space<hbm>>
    tpu.enqueue_indirect_dma source(%dma_start3A_11 : memref<8192x1024xf32, #tpu.memory_space<hbm>>) target(%arg7 : memref<16x1024xf32, #tpu.memory_space<vmem>>) offsets(%dma_start3A_8 : memref<16xi32, #tpu.memory_space<vmem>>) semaphore(%arg11 : memref<!tpu.dma_semaphore, #tpu.memory_space<semaphore_mem>>)
    %dma_start3A_12 = arith.constant 32 : i32
    %dma_start3A_13 = tpu.memref_slice %arg5[%dma_start3A_12] : memref<1024xi32, #tpu.memory_space<vmem>> -> memref<16xi32, #tpu.memory_space<vmem>>
    %dma_start3A_14 = arith.constant 0 : i32
    %dma_start3A_15 = arith.constant 0 : i32
    %dma_start3A_16 = tpu.memref_slice %arg2[%dma_start3A_14, %dma_start3A_15] : memref<8192x1024xf32, #tpu.memory_space<hbm>> -> memref<8192x1024xf32, #tpu.memory_space<hbm>>
    tpu.enqueue_indirect_dma source(%dma_start3A_16 : memref<8192x1024xf32, #tpu.memory_space<hbm>>) target(%arg8 : memref<16x1024xf32, #tpu.memory_space<vmem>>) offsets(%dma_start3A_13 : memref<16xi32, #tpu.memory_space<vmem>>) semaphore(%arg12 : memref<!tpu.dma_semaphore, #tpu.memory_space<semaphore_mem>>)
    %dma_start3A_17 = arith.constant 48 : i32
    %dma_start3A_18 = tpu.memref_slice %arg5[%dma_start3A_17] : memref<1024xi32, #tpu.memory_space<vmem>> -> memref<16xi32, #tpu.memory_space<vmem>>
    %dma_start3A_19 = arith.constant 0 : i32
    %dma_start3A_20 = arith.constant 0 : i32
    %dma_start3A_21 = tpu.memref_slice %arg2[%dma_start3A_19, %dma_start3A_20] : memref<8192x1024xf32, #tpu.memory_space<hbm>> -> memref<8192x1024xf32, #tpu.memory_space<hbm>>
    tpu.enqueue_indirect_dma source(%dma_start3A_21 : memref<8192x1024xf32, #tpu.memory_space<hbm>>) target(%arg9 : memref<16x1024xf32, #tpu.memory_space<vmem>>) offsets(%dma_start3A_18 : memref<16xi32, #tpu.memory_space<vmem>>) semaphore(%arg13 : memref<!tpu.dma_semaphore, #tpu.memory_space<semaphore_mem>>)
    %scan3A = arith.constant 0 : i32
    %scan3A_22 = arith.constant 15 : i32
    %scan3A_23 = arith.addi %scan3A, %scan3A_22 : i32
    %scan3A_24 = arith.constant 1 : i32
    scf.for %scan3A_53 = %scan3A to %scan3A_23 step %scan3A_24  : i32 {
      %mul3A_54 = arith.constant 4 : i32
      %mul3A_55 = arith.muli %scan3A_53, %mul3A_54 : i32
      %add3A_56 = arith.constant 0 : i32
      %add3A_57 = arith.addi %add3A_56, %mul3A_55 : i32
      %add3A_58 = arith.constant 0 : i32
      %add3A_59 = arith.addi %add3A_57, %add3A_58 : i32
      %mul3A_60 = arith.constant 16 : i32
      %mul3A_61 = arith.muli %add3A_59, %mul3A_60 : i32
      %dma_wait3A_62 = tpu.memref_slice %arg5[%mul3A_61] : memref<1024xi32, #tpu.memory_space<vmem>> -> memref<16xi32, #tpu.memory_space<vmem>>
      %dma_wait3A_63 = arith.constant 0 : i32
      %dma_wait3A_64 = arith.constant 0 : i32
      %dma_wait3A_65 = tpu.memref_slice %arg2[%dma_wait3A_63, %dma_wait3A_64] : memref<8192x1024xf32, #tpu.memory_space<hbm>> -> memref<8192x1024xf32, #tpu.memory_space<hbm>>
      tpu.wait_indirect_dma semaphore(%arg10 : memref<!tpu.dma_semaphore, #tpu.memory_space<semaphore_mem>>) src(%dma_wait3A_65 : memref<8192x1024xf32, #tpu.memory_space<hbm>>) dst(%arg6 : memref<16x1024xf32, #tpu.memory_space<vmem>>)
      %mul3A_66 = arith.constant 16 : i32
      %mul3A_67 = arith.muli %add3A_59, %mul3A_66 : i32
      %add3A_68 = arith.addi %mul3A_2, %mul3A_67 : i32
      "tpu.region"() ({
        %run_scoped3A = tpu.sem_alloc : memref<!tpu.dma_semaphore, #tpu.memory_space<semaphore_mem>>
        %dma_start3A_134 = arith.constant 0 : i32
        %dma_start3A_135 = tpu.memref_slice %arg4[%add3A_68, %dma_start3A_134] : memref<32768x1024xf32, #tpu.memory_space<hbm>> -> memref<16x1024xf32, #tpu.memory_space<hbm>>
        %dma_start3A_136 = arith.constant 0 : i32
        %dma_start3A_137 = tpu.memref_slice %arg4[%add3A_68, %dma_start3A_136] : memref<32768x1024xf32, #tpu.memory_space<hbm>> -> memref<16x1024xf32, #tpu.memory_space<hbm>>
        tpu.enqueue_dma source(%arg6 : memref<16x1024xf32, #tpu.memory_space<vmem>>) target(%dma_start3A_137 : memref<16x1024xf32, #tpu.memory_space<hbm>>) target_semaphore(%run_scoped3A : memref<!tpu.dma_semaphore, #tpu.memory_space<semaphore_mem>>)
        %dma_wait3A_138 = arith.constant 0 : i32
        %dma_wait3A_139 = tpu.memref_slice %arg4[%add3A_68, %dma_wait3A_138] : memref<32768x1024xf32, #tpu.memory_space<hbm>> -> memref<16x1024xf32, #tpu.memory_space<hbm>>
        %dma_wait3A_140 = arith.constant 0 : i32
        %dma_wait3A_141 = tpu.memref_slice %arg4[%add3A_68, %dma_wait3A_140] : memref<32768x1024xf32, #tpu.memory_space<hbm>> -> memref<16x1024xf32, #tpu.memory_space<hbm>>
        tpu.wait_dma2 semaphore(%run_scoped3A : memref<!tpu.dma_semaphore, #tpu.memory_space<semaphore_mem>>) src(%arg6 : memref<16x1024xf32, #tpu.memory_space<vmem>>) dst(%dma_wait3A_141 : memref<16x1024xf32, #tpu.memory_space<hbm>>)
        tpu.yield
      }) : () -> ()
      %add3A_69 = arith.constant 4 : i32
      %add3A_70 = arith.addi %add3A_59, %add3A_69 : i32
      %mul3A_71 = arith.constant 16 : i32
      %mul3A_72 = arith.muli %add3A_70, %mul3A_71 : i32
      %dma_start3A_73 = tpu.memref_slice %arg5[%mul3A_72] : memref<1024xi32, #tpu.memory_space<vmem>> -> memref<16xi32, #tpu.memory_space<vmem>>
      %dma_start3A_74 = arith.constant 0 : i32
      %dma_start3A_75 = arith.constant 0 : i32
      %dma_start3A_76 = tpu.memref_slice %arg2[%dma_start3A_74, %dma_start3A_75] : memref<8192x1024xf32, #tpu.memory_space<hbm>> -> memref<8192x1024xf32, #tpu.memory_space<hbm>>
      tpu.enqueue_indirect_dma source(%dma_start3A_76 : memref<8192x1024xf32, #tpu.memory_space<hbm>>) target(%arg6 : memref<16x1024xf32, #tpu.memory_space<vmem>>) offsets(%dma_start3A_73 : memref<16xi32, #tpu.memory_space<vmem>>) semaphore(%arg10 : memref<!tpu.dma_semaphore, #tpu.memory_space<semaphore_mem>>)
      %add3A_77 = arith.constant 1 : i32
      %add3A_78 = arith.addi %add3A_57, %add3A_77 : i32
      %mul3A_79 = arith.constant 16 : i32
      %mul3A_80 = arith.muli %add3A_78, %mul3A_79 : i32
      %dma_wait3A_81 = tpu.memref_slice %arg5[%mul3A_80] : memref<1024xi32, #tpu.memory_space<vmem>> -> memref<16xi32, #tpu.memory_space<vmem>>
      %dma_wait3A_82 = arith.constant 0 : i32
      %dma_wait3A_83 = arith.constant 0 : i32
      %dma_wait3A_84 = tpu.memref_slice %arg2[%dma_wait3A_82, %dma_wait3A_83] : memref<8192x1024xf32, #tpu.memory_space<hbm>> -> memref<8192x1024xf32, #tpu.memory_space<hbm>>
      tpu.wait_indirect_dma semaphore(%arg11 : memref<!tpu.dma_semaphore, #tpu.memory_space<semaphore_mem>>) src(%dma_wait3A_84 : memref<8192x1024xf32, #tpu.memory_space<hbm>>) dst(%arg7 : memref<16x1024xf32, #tpu.memory_space<vmem>>)
      %mul3A_85 = arith.constant 16 : i32
      %mul3A_86 = arith.muli %add3A_78, %mul3A_85 : i32
      %add3A_87 = arith.addi %mul3A_2, %mul3A_86 : i32
      "tpu.region"() ({
        %run_scoped3A = tpu.sem_alloc : memref<!tpu.dma_semaphore, #tpu.memory_space<semaphore_mem>>
        %dma_start3A_134 = arith.constant 0 : i32
        %dma_start3A_135 = tpu.memref_slice %arg4[%add3A_87, %dma_start3A_134] : memref<32768x1024xf32, #tpu.memory_space<hbm>> -> memref<16x1024xf32, #tpu.memory_space<hbm>>
        %dma_start3A_136 = arith.constant 0 : i32
        %dma_start3A_137 = tpu.memref_slice %arg4[%add3A_87, %dma_start3A_136] : memref<32768x1024xf32, #tpu.memory_space<hbm>> -> memref<16x1024xf32, #tpu.memory_space<hbm>>
        tpu.enqueue_dma source(%arg7 : memref<16x1024xf32, #tpu.memory_space<vmem>>) target(%dma_start3A_137 : memref<16x1024xf32, #tpu.memory_space<hbm>>) target_semaphore(%run_scoped3A : memref<!tpu.dma_semaphore, #tpu.memory_space<semaphore_mem>>)
        %dma_wait3A_138 = arith.constant 0 : i32
        %dma_wait3A_139 = tpu.memref_slice %arg4[%add3A_87, %dma_wait3A_138] : memref<32768x1024xf32, #tpu.memory_space<hbm>> -> memref<16x1024xf32, #tpu.memory_space<hbm>>
        %dma_wait3A_140 = arith.constant 0 : i32
        %dma_wait3A_141 = tpu.memref_slice %arg4[%add3A_87, %dma_wait3A_140] : memref<32768x1024xf32, #tpu.memory_space<hbm>> -> memref<16x1024xf32, #tpu.memory_space<hbm>>
        tpu.wait_dma2 semaphore(%run_scoped3A : memref<!tpu.dma_semaphore, #tpu.memory_space<semaphore_mem>>) src(%arg7 : memref<16x1024xf32, #tpu.memory_space<vmem>>) dst(%dma_wait3A_141 : memref<16x1024xf32, #tpu.memory_space<hbm>>)
        tpu.yield
      }) : () -> ()
      %add3A_88 = arith.constant 4 : i32
      %add3A_89 = arith.addi %add3A_78, %add3A_88 : i32
      %mul3A_90 = arith.constant 16 : i32
      %mul3A_91 = arith.muli %add3A_89, %mul3A_90 : i32
      %dma_start3A_92 = tpu.memref_slice %arg5[%mul3A_91] : memref<1024xi32, #tpu.memory_space<vmem>> -> memref<16xi32, #tpu.memory_space<vmem>>
      %dma_start3A_93 = arith.constant 0 : i32
      %dma_start3A_94 = arith.constant 0 : i32
      %dma_start3A_95 = tpu.memref_slice %arg2[%dma_start3A_93, %dma_start3A_94] : memref<8192x1024xf32, #tpu.memory_space<hbm>> -> memref<8192x1024xf32, #tpu.memory_space<hbm>>
      tpu.enqueue_indirect_dma source(%dma_start3A_95 : memref<8192x1024xf32, #tpu.memory_space<hbm>>) target(%arg7 : memref<16x1024xf32, #tpu.memory_space<vmem>>) offsets(%dma_start3A_92 : memref<16xi32, #tpu.memory_space<vmem>>) semaphore(%arg11 : memref<!tpu.dma_semaphore, #tpu.memory_space<semaphore_mem>>)
      %add3A_96 = arith.constant 2 : i32
      %add3A_97 = arith.addi %add3A_57, %add3A_96 : i32
      %mul3A_98 = arith.constant 16 : i32
      %mul3A_99 = arith.muli %add3A_97, %mul3A_98 : i32
      %dma_wait3A_100 = tpu.memref_slice %arg5[%mul3A_99] : memref<1024xi32, #tpu.memory_space<vmem>> -> memref<16xi32, #tpu.memory_space<vmem>>
      %dma_wait3A_101 = arith.constant 0 : i32
      %dma_wait3A_102 = arith.constant 0 : i32
      %dma_wait3A_103 = tpu.memref_slice %arg2[%dma_wait3A_101, %dma_wait3A_102] : memref<8192x1024xf32, #tpu.memory_space<hbm>> -> memref<8192x1024xf32, #tpu.memory_space<hbm>>
      tpu.wait_indirect_dma semaphore(%arg12 : memref<!tpu.dma_semaphore, #tpu.memory_space<semaphore_mem>>) src(%dma_wait3A_103 : memref<8192x1024xf32, #tpu.memory_space<hbm>>) dst(%arg8 : memref<16x1024xf32, #tpu.memory_space<vmem>>)
      %mul3A_104 = arith.constant 16 : i32
      %mul3A_105 = arith.muli %add3A_97, %mul3A_104 : i32
      %add3A_106 = arith.addi %mul3A_2, %mul3A_105 : i32
      "tpu.region"() ({
        %run_scoped3A = tpu.sem_alloc : memref<!tpu.dma_semaphore, #tpu.memory_space<semaphore_mem>>
        %dma_start3A_134 = arith.constant 0 : i32
        %dma_start3A_135 = tpu.memref_slice %arg4[%add3A_106, %dma_start3A_134] : memref<32768x1024xf32, #tpu.memory_space<hbm>> -> memref<16x1024xf32, #tpu.memory_space<hbm>>
        %dma_start3A_136 = arith.constant 0 : i32
        %dma_start3A_137 = tpu.memref_slice %arg4[%add3A_106, %dma_start3A_136] : memref<32768x1024xf32, #tpu.memory_space<hbm>> -> memref<16x1024xf32, #tpu.memory_space<hbm>>
        tpu.enqueue_dma source(%arg8 : memref<16x1024xf32, #tpu.memory_space<vmem>>) target(%dma_start3A_137 : memref<16x1024xf32, #tpu.memory_space<hbm>>) target_semaphore(%run_scoped3A : memref<!tpu.dma_semaphore, #tpu.memory_space<semaphore_mem>>)
        %dma_wait3A_138 = arith.constant 0 : i32
        %dma_wait3A_139 = tpu.memref_slice %arg4[%add3A_106, %dma_wait3A_138] : memref<32768x1024xf32, #tpu.memory_space<hbm>> -> memref<16x1024xf32, #tpu.memory_space<hbm>>
        %dma_wait3A_140 = arith.constant 0 : i32
        %dma_wait3A_141 = tpu.memref_slice %arg4[%add3A_106, %dma_wait3A_140] : memref<32768x1024xf32, #tpu.memory_space<hbm>> -> memref<16x1024xf32, #tpu.memory_space<hbm>>
        tpu.wait_dma2 semaphore(%run_scoped3A : memref<!tpu.dma_semaphore, #tpu.memory_space<semaphore_mem>>) src(%arg8 : memref<16x1024xf32, #tpu.memory_space<vmem>>) dst(%dma_wait3A_141 : memref<16x1024xf32, #tpu.memory_space<hbm>>)
        tpu.yield
      }) : () -> ()
      %add3A_107 = arith.constant 4 : i32
      %add3A_108 = arith.addi %add3A_97, %add3A_107 : i32
      %mul3A_109 = arith.constant 16 : i32
      %mul3A_110 = arith.muli %add3A_108, %mul3A_109 : i32
      %dma_start3A_111 = tpu.memref_slice %arg5[%mul3A_110] : memref<1024xi32, #tpu.memory_space<vmem>> -> memref<16xi32, #tpu.memory_space<vmem>>
      %dma_start3A_112 = arith.constant 0 : i32
      %dma_start3A_113 = arith.constant 0 : i32
      %dma_start3A_114 = tpu.memref_slice %arg2[%dma_start3A_112, %dma_start3A_113] : memref<8192x1024xf32, #tpu.memory_space<hbm>> -> memref<8192x1024xf32, #tpu.memory_space<hbm>>
      tpu.enqueue_indirect_dma source(%dma_start3A_114 : memref<8192x1024xf32, #tpu.memory_space<hbm>>) target(%arg8 : memref<16x1024xf32, #tpu.memory_space<vmem>>) offsets(%dma_start3A_111 : memref<16xi32, #tpu.memory_space<vmem>>) semaphore(%arg12 : memref<!tpu.dma_semaphore, #tpu.memory_space<semaphore_mem>>)
      %add3A_115 = arith.constant 3 : i32
      %add3A_116 = arith.addi %add3A_57, %add3A_115 : i32
      %mul3A_117 = arith.constant 16 : i32
      %mul3A_118 = arith.muli %add3A_116, %mul3A_117 : i32
      %dma_wait3A_119 = tpu.memref_slice %arg5[%mul3A_118] : memref<1024xi32, #tpu.memory_space<vmem>> -> memref<16xi32, #tpu.memory_space<vmem>>
      %dma_wait3A_120 = arith.constant 0 : i32
      %dma_wait3A_121 = arith.constant 0 : i32
      %dma_wait3A_122 = tpu.memref_slice %arg2[%dma_wait3A_120, %dma_wait3A_121] : memref<8192x1024xf32, #tpu.memory_space<hbm>> -> memref<8192x1024xf32, #tpu.memory_space<hbm>>
      tpu.wait_indirect_dma semaphore(%arg13 : memref<!tpu.dma_semaphore, #tpu.memory_space<semaphore_mem>>) src(%dma_wait3A_122 : memref<8192x1024xf32, #tpu.memory_space<hbm>>) dst(%arg9 : memref<16x1024xf32, #tpu.memory_space<vmem>>)
      %mul3A_123 = arith.constant 16 : i32
      %mul3A_124 = arith.muli %add3A_116, %mul3A_123 : i32
      %add3A_125 = arith.addi %mul3A_2, %mul3A_124 : i32
      "tpu.region"() ({
        %run_scoped3A = tpu.sem_alloc : memref<!tpu.dma_semaphore, #tpu.memory_space<semaphore_mem>>
        %dma_start3A_134 = arith.constant 0 : i32
        %dma_start3A_135 = tpu.memref_slice %arg4[%add3A_125, %dma_start3A_134] : memref<32768x1024xf32, #tpu.memory_space<hbm>> -> memref<16x1024xf32, #tpu.memory_space<hbm>>
        %dma_start3A_136 = arith.constant 0 : i32
        %dma_start3A_137 = tpu.memref_slice %arg4[%add3A_125, %dma_start3A_136] : memref<32768x1024xf32, #tpu.memory_space<hbm>> -> memref<16x1024xf32, #tpu.memory_space<hbm>>
        tpu.enqueue_dma source(%arg9 : memref<16x1024xf32, #tpu.memory_space<vmem>>) target(%dma_start3A_137 : memref<16x1024xf32, #tpu.memory_space<hbm>>) target_semaphore(%run_scoped3A : memref<!tpu.dma_semaphore, #tpu.memory_space<semaphore_mem>>)
        %dma_wait3A_138 = arith.constant 0 : i32
        %dma_wait3A_139 = tpu.memref_slice %arg4[%add3A_125, %dma_wait3A_138] : memref<32768x1024xf32, #tpu.memory_space<hbm>> -> memref<16x1024xf32, #tpu.memory_space<hbm>>
        %dma_wait3A_140 = arith.constant 0 : i32
        %dma_wait3A_141 = tpu.memref_slice %arg4[%add3A_125, %dma_wait3A_140] : memref<32768x1024xf32, #tpu.memory_space<hbm>> -> memref<16x1024xf32, #tpu.memory_space<hbm>>
        tpu.wait_dma2 semaphore(%run_scoped3A : memref<!tpu.dma_semaphore, #tpu.memory_space<semaphore_mem>>) src(%arg9 : memref<16x1024xf32, #tpu.memory_space<vmem>>) dst(%dma_wait3A_141 : memref<16x1024xf32, #tpu.memory_space<hbm>>)
        tpu.yield
      }) : () -> ()
      %add3A_126 = arith.constant 4 : i32
      %add3A_127 = arith.addi %add3A_116, %add3A_126 : i32
      %mul3A_128 = arith.constant 16 : i32
      %mul3A_129 = arith.muli %add3A_127, %mul3A_128 : i32
      %dma_start3A_130 = tpu.memref_slice %arg5[%mul3A_129] : memref<1024xi32, #tpu.memory_space<vmem>> -> memref<16xi32, #tpu.memory_space<vmem>>
      %dma_start3A_131 = arith.constant 0 : i32
      %dma_start3A_132 = arith.constant 0 : i32
      %dma_start3A_133 = tpu.memref_slice %arg2[%dma_start3A_131, %dma_start3A_132] : memref<8192x1024xf32, #tpu.memory_space<hbm>> -> memref<8192x1024xf32, #tpu.memory_space<hbm>>
      tpu.enqueue_indirect_dma source(%dma_start3A_133 : memref<8192x1024xf32, #tpu.memory_space<hbm>>) target(%arg9 : memref<16x1024xf32, #tpu.memory_space<vmem>>) offsets(%dma_start3A_130 : memref<16xi32, #tpu.memory_space<vmem>>) semaphore(%arg13 : memref<!tpu.dma_semaphore, #tpu.memory_space<semaphore_mem>>)
    }
    %scan3A_25 = arith.constant 15 : i32
    %dma_wait3A = arith.constant 960 : i32
    %dma_wait3A_26 = tpu.memref_slice %arg5[%dma_wait3A] : memref<1024xi32, #tpu.memory_space<vmem>> -> memref<16xi32, #tpu.memory_space<vmem>>
    %dma_wait3A_27 = arith.constant 0 : i32
    %dma_wait3A_28 = arith.constant 0 : i32
    %dma_wait3A_29 = tpu.memref_slice %arg2[%dma_wait3A_27, %dma_wait3A_28] : memref<8192x1024xf32, #tpu.memory_space<hbm>> -> memref<8192x1024xf32, #tpu.memory_space<hbm>>
    tpu.wait_indirect_dma semaphore(%arg10 : memref<!tpu.dma_semaphore, #tpu.memory_space<semaphore_mem>>) src(%dma_wait3A_29 : memref<8192x1024xf32, #tpu.memory_space<hbm>>) dst(%arg6 : memref<16x1024xf32, #tpu.memory_space<vmem>>)
    %add3A_30 = arith.constant 960 : i32
    %add3A_31 = arith.addi %mul3A_2, %add3A_30 : i32
    "tpu.region"() ({
      %run_scoped3A = tpu.sem_alloc : memref<!tpu.dma_semaphore, #tpu.memory_space<semaphore_mem>>
      %dma_start3A_53 = arith.constant 0 : i32
      %dma_start3A_54 = tpu.memref_slice %arg4[%add3A_31, %dma_start3A_53] : memref<32768x1024xf32, #tpu.memory_space<hbm>> -> memref<16x1024xf32, #tpu.memory_space<hbm>>
      %dma_start3A_55 = arith.constant 0 : i32
      %dma_start3A_56 = tpu.memref_slice %arg4[%add3A_31, %dma_start3A_55] : memref<32768x1024xf32, #tpu.memory_space<hbm>> -> memref<16x1024xf32, #tpu.memory_space<hbm>>
      tpu.enqueue_dma source(%arg6 : memref<16x1024xf32, #tpu.memory_space<vmem>>) target(%dma_start3A_56 : memref<16x1024xf32, #tpu.memory_space<hbm>>) target_semaphore(%run_scoped3A : memref<!tpu.dma_semaphore, #tpu.memory_space<semaphore_mem>>)
      %dma_wait3A_57 = arith.constant 0 : i32
      %dma_wait3A_58 = tpu.memref_slice %arg4[%add3A_31, %dma_wait3A_57] : memref<32768x1024xf32, #tpu.memory_space<hbm>> -> memref<16x1024xf32, #tpu.memory_space<hbm>>
      %dma_wait3A_59 = arith.constant 0 : i32
      %dma_wait3A_60 = tpu.memref_slice %arg4[%add3A_31, %dma_wait3A_59] : memref<32768x1024xf32, #tpu.memory_space<hbm>> -> memref<16x1024xf32, #tpu.memory_space<hbm>>
      tpu.wait_dma2 semaphore(%run_scoped3A : memref<!tpu.dma_semaphore, #tpu.memory_space<semaphore_mem>>) src(%arg6 : memref<16x1024xf32, #tpu.memory_space<vmem>>) dst(%dma_wait3A_60 : memref<16x1024xf32, #tpu.memory_space<hbm>>)
      tpu.yield
    }) : () -> ()
    %dma_wait3A_32 = arith.constant 976 : i32
    %dma_wait3A_33 = tpu.memref_slice %arg5[%dma_wait3A_32] : memref<1024xi32, #tpu.memory_space<vmem>> -> memref<16xi32, #tpu.memory_space<vmem>>
    %dma_wait3A_34 = arith.constant 0 : i32
    %dma_wait3A_35 = arith.constant 0 : i32
    %dma_wait3A_36 = tpu.memref_slice %arg2[%dma_wait3A_34, %dma_wait3A_35] : memref<8192x1024xf32, #tpu.memory_space<hbm>> -> memref<8192x1024xf32, #tpu.memory_space<hbm>>
    tpu.wait_indirect_dma semaphore(%arg11 : memref<!tpu.dma_semaphore, #tpu.memory_space<semaphore_mem>>) src(%dma_wait3A_36 : memref<8192x1024xf32, #tpu.memory_space<hbm>>) dst(%arg7 : memref<16x1024xf32, #tpu.memory_space<vmem>>)
    %add3A_37 = arith.constant 976 : i32
    %add3A_38 = arith.addi %mul3A_2, %add3A_37 : i32
    "tpu.region"() ({
      %run_scoped3A = tpu.sem_alloc : memref<!tpu.dma_semaphore, #tpu.memory_space<semaphore_mem>>
      %dma_start3A_53 = arith.constant 0 : i32
      %dma_start3A_54 = tpu.memref_slice %arg4[%add3A_38, %dma_start3A_53] : memref<32768x1024xf32, #tpu.memory_space<hbm>> -> memref<16x1024xf32, #tpu.memory_space<hbm>>
      %dma_start3A_55 = arith.constant 0 : i32
      %dma_start3A_56 = tpu.memref_slice %arg4[%add3A_38, %dma_start3A_55] : memref<32768x1024xf32, #tpu.memory_space<hbm>> -> memref<16x1024xf32, #tpu.memory_space<hbm>>
      tpu.enqueue_dma source(%arg7 : memref<16x1024xf32, #tpu.memory_space<vmem>>) target(%dma_start3A_56 : memref<16x1024xf32, #tpu.memory_space<hbm>>) target_semaphore(%run_scoped3A : memref<!tpu.dma_semaphore, #tpu.memory_space<semaphore_mem>>)
      %dma_wait3A_57 = arith.constant 0 : i32
      %dma_wait3A_58 = tpu.memref_slice %arg4[%add3A_38, %dma_wait3A_57] : memref<32768x1024xf32, #tpu.memory_space<hbm>> -> memref<16x1024xf32, #tpu.memory_space<hbm>>
      %dma_wait3A_59 = arith.constant 0 : i32
      %dma_wait3A_60 = tpu.memref_slice %arg4[%add3A_38, %dma_wait3A_59] : memref<32768x1024xf32, #tpu.memory_space<hbm>> -> memref<16x1024xf32, #tpu.memory_space<hbm>>
      tpu.wait_dma2 semaphore(%run_scoped3A : memref<!tpu.dma_semaphore, #tpu.memory_space<semaphore_mem>>) src(%arg7 : memref<16x1024xf32, #tpu.memory_space<vmem>>) dst(%dma_wait3A_60 : memref<16x1024xf32, #tpu.memory_space<hbm>>)
      tpu.yield
    }) : () -> ()
    %dma_wait3A_39 = arith.constant 992 : i32
    %dma_wait3A_40 = tpu.memref_slice %arg5[%dma_wait3A_39] : memref<1024xi32, #tpu.memory_space<vmem>> -> memref<16xi32, #tpu.memory_space<vmem>>
    %dma_wait3A_41 = arith.constant 0 : i32
    %dma_wait3A_42 = arith.constant 0 : i32
    %dma_wait3A_43 = tpu.memref_slice %arg2[%dma_wait3A_41, %dma_wait3A_42] : memref<8192x1024xf32, #tpu.memory_space<hbm>> -> memref<8192x1024xf32, #tpu.memory_space<hbm>>
    tpu.wait_indirect_dma semaphore(%arg12 : memref<!tpu.dma_semaphore, #tpu.memory_space<semaphore_mem>>) src(%dma_wait3A_43 : memref<8192x1024xf32, #tpu.memory_space<hbm>>) dst(%arg8 : memref<16x1024xf32, #tpu.memory_space<vmem>>)
    %add3A_44 = arith.constant 992 : i32
    %add3A_45 = arith.addi %mul3A_2, %add3A_44 : i32
    "tpu.region"() ({
      %run_scoped3A = tpu.sem_alloc : memref<!tpu.dma_semaphore, #tpu.memory_space<semaphore_mem>>
      %dma_start3A_53 = arith.constant 0 : i32
      %dma_start3A_54 = tpu.memref_slice %arg4[%add3A_45, %dma_start3A_53] : memref<32768x1024xf32, #tpu.memory_space<hbm>> -> memref<16x1024xf32, #tpu.memory_space<hbm>>
      %dma_start3A_55 = arith.constant 0 : i32
      %dma_start3A_56 = tpu.memref_slice %arg4[%add3A_45, %dma_start3A_55] : memref<32768x1024xf32, #tpu.memory_space<hbm>> -> memref<16x1024xf32, #tpu.memory_space<hbm>>
      tpu.enqueue_dma source(%arg8 : memref<16x1024xf32, #tpu.memory_space<vmem>>) target(%dma_start3A_56 : memref<16x1024xf32, #tpu.memory_space<hbm>>) target_semaphore(%run_scoped3A : memref<!tpu.dma_semaphore, #tpu.memory_space<semaphore_mem>>)
      %dma_wait3A_57 = arith.constant 0 : i32
      %dma_wait3A_58 = tpu.memref_slice %arg4[%add3A_45, %dma_wait3A_57] : memref<32768x1024xf32, #tpu.memory_space<hbm>> -> memref<16x1024xf32, #tpu.memory_space<hbm>>
      %dma_wait3A_59 = arith.constant 0 : i32
      %dma_wait3A_60 = tpu.memref_slice %arg4[%add3A_45, %dma_wait3A_59] : memref<32768x1024xf32, #tpu.memory_space<hbm>> -> memref<16x1024xf32, #tpu.memory_space<hbm>>
      tpu.wait_dma2 semaphore(%run_scoped3A : memref<!tpu.dma_semaphore, #tpu.memory_space<semaphore_mem>>) src(%arg8 : memref<16x1024xf32, #tpu.memory_space<vmem>>) dst(%dma_wait3A_60 : memref<16x1024xf32, #tpu.memory_space<hbm>>)
      tpu.yield
    }) : () -> ()
    %dma_wait3A_46 = arith.constant 1008 : i32
    %dma_wait3A_47 = tpu.memref_slice %arg5[%dma_wait3A_46] : memref<1024xi32, #tpu.memory_space<vmem>> -> memref<16xi32, #tpu.memory_space<vmem>>
    %dma_wait3A_48 = arith.constant 0 : i32
    %dma_wait3A_49 = arith.constant 0 : i32
    %dma_wait3A_50 = tpu.memref_slice %arg2[%dma_wait3A_48, %dma_wait3A_49] : memref<8192x1024xf32, #tpu.memory_space<hbm>> -> memref<8192x1024xf32, #tpu.memory_space<hbm>>
    tpu.wait_indirect_dma semaphore(%arg13 : memref<!tpu.dma_semaphore, #tpu.memory_space<semaphore_mem>>) src(%dma_wait3A_50 : memref<8192x1024xf32, #tpu.memory_space<hbm>>) dst(%arg9 : memref<16x1024xf32, #tpu.memory_space<vmem>>)
    %add3A_51 = arith.constant 1008 : i32
    %add3A_52 = arith.addi %mul3A_2, %add3A_51 : i32
    "tpu.region"() ({
      %run_scoped3A = tpu.sem_alloc : memref<!tpu.dma_semaphore, #tpu.memory_space<semaphore_mem>>
      %dma_start3A_53 = arith.constant 0 : i32
      %dma_start3A_54 = tpu.memref_slice %arg4[%add3A_52, %dma_start3A_53] : memref<32768x1024xf32, #tpu.memory_space<hbm>> -> memref<16x1024xf32, #tpu.memory_space<hbm>>
      %dma_start3A_55 = arith.constant 0 : i32
      %dma_start3A_56 = tpu.memref_slice %arg4[%add3A_52, %dma_start3A_55] : memref<32768x1024xf32, #tpu.memory_space<hbm>> -> memref<16x1024xf32, #tpu.memory_space<hbm>>
      tpu.enqueue_dma source(%arg9 : memref<16x1024xf32, #tpu.memory_space<vmem>>) target(%dma_start3A_56 : memref<16x1024xf32, #tpu.memory_space<hbm>>) target_semaphore(%run_scoped3A : memref<!tpu.dma_semaphore, #tpu.memory_space<semaphore_mem>>)
      %dma_wait3A_57 = arith.constant 0 : i32
      %dma_wait3A_58 = tpu.memref_slice %arg4[%add3A_52, %dma_wait3A_57] : memref<32768x1024xf32, #tpu.memory_space<hbm>> -> memref<16x1024xf32, #tpu.memory_space<hbm>>
      %dma_wait3A_59 = arith.constant 0 : i32
      %dma_wait3A_60 = tpu.memref_slice %arg4[%add3A_52, %dma_wait3A_59] : memref<32768x1024xf32, #tpu.memory_space<hbm>> -> memref<16x1024xf32, #tpu.memory_space<hbm>>
      tpu.wait_dma2 semaphore(%run_scoped3A : memref<!tpu.dma_semaphore, #tpu.memory_space<semaphore_mem>>) src(%arg9 : memref<16x1024xf32, #tpu.memory_space<vmem>>) dst(%dma_wait3A_60 : memref<16x1024xf32, #tpu.memory_space<hbm>>)
      tpu.yield
    }) : () -> ()
    return
  }
}

module attributes {stable_mosaic.version = 14 : i64} {
  func.func @_l2norm_rows(%arg0: i32, %arg1: memref<2048x1024xf32, #tpu.memory_space<vmem>>, %arg2: memref<2048x1024xf32, #tpu.memory_space<vmem>>) attributes {dimension_semantics = [#tpu.dimension_semantics<arbitrary>], iteration_bounds = array<i64: 4>, scalar_prefetch = 0 : i64, scratch_operands = 0 : i64, tpu.core_type = #tpu.core_type<tc>, window_params = [{transform_indices = @transform_0, window_bounds = array<i64: 2048, 1024>}, {transform_indices = @transform_1, window_bounds = array<i64: 2048, 1024>}]} {
    %get3A = arith.constant 0 : index
    %get3A_0 = arith.constant 0 : index
    %get3A_1 = vector.load %arg1[%get3A, %get3A_0] : memref<2048x1024xf32, #tpu.memory_space<vmem>>, vector<2048x1024xf32>
    %mul3A = arith.mulf %get3A_1, %get3A_1 : vector<2048x1024xf32>
    %reduce_sum3A = arith.constant dense<0.000000e+00> : vector<2048xf32>
    %reduce_sum3A_2 = vector.multi_reduction <add>, %mul3A, %reduce_sum3A [1] : vector<2048x1024xf32> to vector<2048xf32>
    %broadcast_in_dim3A = vector.shape_cast %reduce_sum3A_2 : vector<2048xf32> to vector<2048x1xf32>
    %sqrt3A = math.sqrt %broadcast_in_dim3A : vector<2048x1xf32>
    %max3A = arith.constant 9.99999996E-13 : f32
    %max3A_3 = vector.broadcast %max3A : f32 to vector<2048x1xf32>
    %max3A_4 = arith.maximumf %sqrt3A, %max3A_3 : vector<2048x1xf32>
    %div3A = vector.broadcast %max3A_4 : vector<2048x1xf32> to vector<2048x1024xf32>
    %div3A_5 = arith.divf %get3A_1, %div3A : vector<2048x1024xf32>
    %swap3A = arith.constant 0 : index
    %swap3A_6 = arith.constant 0 : index
    %swap3A_7 = vector.load %arg2[%swap3A, %swap3A_6] : memref<2048x1024xf32, #tpu.memory_space<vmem>>, vector<2048x1024xf32>
    tpu.vector_store %arg2[%swap3A, %swap3A_6], %div3A_5 {strides = array<i32>} : memref<2048x1024xf32, #tpu.memory_space<vmem>>, vector<2048x1024xf32>,
    return
  }
  func.func @transform_0(%arg0: i32) -> (i32, i32) {
    %c0_i32 = arith.constant 0 : i32
    %c0_i32_0 = arith.constant 0 : i32
    return %arg0, %c0_i32 : i32, i32
  }
  func.func @transform_1(%arg0: i32) -> (i32, i32) {
    %c0_i32 = arith.constant 0 : i32
    %c0_i32_0 = arith.constant 0 : i32
    return %arg0, %c0_i32 : i32, i32
  }
}

</mosaic_0001>

<sc_bundles>
// kernel: kernel.4.cloned.1.call-start
scs
__scs_entry_jumppad:
0x0: {  	(pc) =	sbr.rel $0x88, $3  }
0x1: {  	(tag) =	ssettag $0x0;
	lr =	simm.s32 $0x1  }
0x2: {  	[smem:$0x3F9F] =	sst lr;
	_ =	strace $0xD0000000  }
0x3: {  	_ = 	snop  }
0x4: {  	_ = 	snop  }
0x5: {  	_ = 	snop  }
0x6: {  	_ = 	snop  }
0x7: {  	_ = 	snop  }
__scs_overlays_trampoline_lowered:
0x8: {  	[smem:$0x3FAE] =	sst s0  }
0x9: {  	[smem:$0x3FAF] =	sst s1  }
0xa: {  	[smem:$0x3FB0] =	sst s2  }
0xb: {  	[smem:$0x3FB1] =	sst s3  }
0xc: {  	[smem:$0x3FB2] =	sst s4  }
0xd: {  	[smem:$0x3FB3] =	sst s5  }
0xe: {  	[smem:$0x3FB4] =	sst s6  }
0xf: {  	[smem:$0x3FB5] =	sst s7  }
0x10: {  	[smem:$0x3FB6] =	sst s8  }
0x11: {  	[smem:$0x3FB7] =	sst s9;
	s0 =	simm.s32 @!p0 $0x0  }
0x12: {  	s1 =	sld [smem:$0x3F9D];
	s0 =	simm.s32 @p0 $0x1  }
0x13: {  	[smem:$0x3FB8] =	sst s0;
	s0 =	simm.s32 @!p1 $0x0  }
0x14: {  	s2 =	sld [smem:$0x3F9C];
	s0 =	simm.s32 @p1 $0x1  }
0x15: {  	[smem:$0x3FB9] =	sst s0;
	s0 =	simm.s32 @!p2 $0x0  }
0x16: {  	s3 =	sld [smem:$0x3FDB];
	s0 =	simm.s32 @p2 $0x1  }
0x17: {  	s4 =	simm.s32 $0x1BF5;
	[smem:$0x3FBB] =	sst s0  }
0x18: {  	s0 =	sld [smem:$0x3F9E];
	_ =	swait.ge [sflag:s4], $0x0  }
0x19: {  	s7 =	sld [smem:$0x3F9F]  }
0x1a: {  	s8 =	sadd.s32 $0xFFFFE003, lr  }
0x1b: {  	s9 =	sadd.s32 $0xFFFFFEF7, lr;
	s5 =	simm.s32 $0xFFFFFFFF;
	p2 =	slt.u32 s8, $0xFFFFF086  }
0x1c: {  	p1 =	slt.u32 s9, $0xF7A;
	s5 =	simm.s32 @!p2 $0x0  }
0x1d: {  	s5 =	simm.s32 @p1 $0x1;
	p0 =	seq.s32 s7, s2  }
0x1e: {  	s7 =	smul.u32 @!p0 $0xF7A, s2;
	p2 =	seq.s32 @!p0 s5, $0x0  }
0x1f: {  	s9 =	smul.u32 $0xF7A, s1;
	s8 =	simm.s32 @!p0 $0x1BF5;
	p2 =	por !p2, p0  }
0x20: {  	[sflag:s8] =	ssyncset.s32 @!p0 $0xFFFFF086;
	s6 =	sadd.s32 @!p0 s3, s7;
	s7 =	simm.s32 @!p0 $0x108  }
0x21: {  	s3 =	sadd.s32 s3, s9;
	s6 =	sadd.s32 @!p0 $0x88, s6;
	s7 =	simm.s32 @p2 $0x1082  }
0x22: {  	[simem:s7], [sflag:s8] =	dma.local @!p0 [hbm:s6], $0xF7A  }
0x23: {  	s9 =	sor.u32 $0xD0000000, s2;
	s6 =	simm.s32 $0x108;
	_ =	swait.ge @!p0 [sflag:s8], $0x0  }
0x24: {  	s3 =	sadd.s32 $0x88, s3;
	s6 =	simm.s32 @!p1 $0x1082;
	[sflag:s4] =	ssyncset.s32 $0xFFFFF086  }
0x25: {  	[simem:s6], [sflag:s4] =	dma.local [hbm:s3], $0xF7A  }
0x26: {  	[smem:$0x3F9F] =	sst s1;
	(tag) =	ssettag s2;
	_ =	strace s9  }
0x27: {  	s1 =	sld [smem:$0x3FAF]  }
0x28: {  	s2 =	sld [smem:$0x3FB0]  }
0x29: {  	s4 =	sld [smem:$0x3FB2]  }
0x2a: {  	p0 =	seq.s32 s5, $0x0;
	s5 =	sld [smem:$0x3FB3]  }
0x2b: {  	s6 =	sld [smem:$0x3FB4]  }
0x2c: {  	s7 =	sld [smem:$0x3FB5]  }
0x2d: {  	s3 =	simm.s32 $0x108;
	s8 =	sld [smem:$0x3FB6]  }
0x2e: {  	s3 =	simm.s32 @!p0 $0x1082;
	s9 =	sld [smem:$0x3FB7]  }
0x2f: {  	lr =	sadd.s32 s0, s3;
	s0 =	sld [smem:$0x3FAE]  }
0x30: {  	s3 =	sld [smem:$0x3FB1]  }
0x31: {  	[smem:$0x3FBA] =	sst s10  }
0x32: {  	s10 =	sld [smem:$0x3FB8];
	_ =	sdelay $0x3  }
0x33: {  	p0 =	seq.s32 s10, $0x1;
	s10 =	sld [smem:$0x3FBA];
	_ =	sdelay $0x3  }
0x34: {  	[smem:$0x3FBA] =	sst s10  }
0x35: {  	s10 =	sld [smem:$0x3FB9];
	_ =	sdelay $0x3  }
0x36: {  	p1 =	seq.s32 s10, $0x1;
	s10 =	sld [smem:$0x3FBA];
	_ =	sdelay $0x3  }
0x37: {  	[smem:$0x3FBA] =	sst s10  }
0x38: {  	s10 =	sld [smem:$0x3FBB]  }
0x39: {  	_ = 	snop;
	(pc) =	sbr.ind lr, $3  }
0x3a: {  	_ = 	snop  }
0x3b: {  	_ = 	snop  }
0x3c: {  	p2 =	seq.s32 s10, $0x1;
	s10 =	sld [smem:$0x3FBA]  }
0x3d: {  	_ =	shalt  }
0x3e: {  	_ =	shalt  }
0x3f: {  	_ =	shalt  }
0x40: {  	_ =	shalt  }
0x41: {  	_ =	shalt  }
0x42: {  	_ =	shalt  }
0x43: {  	_ =	shalt  }
0x44: {  	_ =	shalt  }
0x45: {  	_ =	shalt  }
0x46: {  	_ =	shalt  }
0x47: {  	_ =	shalt  }
0x48: {  	_ =	shalt  }
0x49: {  	_ =	shalt  }
0x4a: {  	_ =	shalt  }
0x4b: {  	_ =	shalt  }
0x4c: {  	_ =	shalt  }
0x4d: {  	_ =	shalt  }
0x4e: {  	_ =	shalt  }
0x4f: {  	_ =	shalt  }
0x50: {  	_ =	shalt  }
0x51: {  	_ =	shalt  }
0x52: {  	_ =	shalt  }
0x53: {  	_ =	shalt  }
0x54: {  	_ =	shalt  }
0x55: {  	_ =	shalt  }
0x56: {  	_ =	shalt  }
0x57: {  	_ =	shalt  }
0x58: {  	_ =	shalt  }
0x59: {  	_ =	shalt  }
0x5a: {  	_ =	shalt  }
0x5b: {  	_ =	shalt  }
0x5c: {  	_ =	shalt  }
0x5d: {  	_ =	shalt  }
0x5e: {  	_ =	shalt  }
0x5f: {  	_ =	shalt  }
0x60: {  	_ =	shalt  }
0x61: {  	_ =	shalt  }
0x62: {  	_ =	shalt  }
0x63: {  	_ =	shalt  }
0x64: {  	_ =	shalt  }
0x65: {  	_ =	shalt  }
0x66: {  	_ =	shalt  }
0x67: {  	_ =	shalt  }
0x68: {  	_ =	shalt  }
0x69: {  	_ =	shalt  }
0x6a: {  	_ =	shalt  }
0x6b: {  	_ =	shalt  }
0x6c: {  	_ =	shalt  }
0x6d: {  	_ =	shalt  }
0x6e: {  	_ =	shalt  }
0x6f: {  	_ =	shalt  }
0x70: {  	_ =	shalt  }
0x71: {  	_ =	shalt  }
0x72: {  	_ =	shalt  }
0x73: {  	_ =	shalt  }
0x74: {  	_ =	shalt  }
0x75: {  	_ =	shalt  }
0x76: {  	_ =	shalt  }
0x77: {  	_ =	shalt  }
0x78: {  	_ =	shalt  }
0x79: {  	_ =	shalt  }
0x7a: {  	_ =	shalt  }
0x7b: {  	_ =	shalt  }
0x7c: {  	_ =	shalt  }
0x7d: {  	_ =	shalt  }
0x7e: {  	_ =	shalt  }
0x7f: {  	_ =	shalt  }
0x80: {  	_ =	shalt  }
0x81: {  	_ =	shalt  }
0x82: {  	_ =	shalt  }
0x83: {  	_ =	shalt  }
0x84: {  	_ =	shalt  }
0x85: {  	_ =	shalt  }
0x86: {  	_ =	shalt  }
0x87: {  	_ =	shalt  }
.Lfunc_end0:
.L_simem_size_0:
called_computation_lowered:
.L_overlay_start_0:
0x88: {  	s2 =	sld [smem:$0x3FD9]  }
0x89: {  	s3 =	sld [smem:$0x3FFE];
	_ =	sdelay $0x1  }
0x8a: {  	s1 =	srdreg.scid  }
0x8b: {  	s0 =	sand.u32 $0x1, s1  }
0x8c: {  	s17 =	sshll.u32 s0, $0xA;
	s2 =	sadd.s32 s3, s2  }
0x8d: {  	s2 =	sadd.s32 s2, s17  }
0x8e: {  	[smem:$0x3FC6] =	sst s2  }
0x8f: {  	_ = 	snop  }
0x90: {  	s2 =	sld [smem:$0x3FD0];
	(tm) =	ssettm $0x1  }
0x91: {  	s18 =	sld [smem:$0x3FFB];
	_ =	sdelay $0x3  }
0x92: {  	_ =	strace s18  }
0x93: {  	s3 =	sld [smem:$0x3FFC];
	_ =	sdelay $0x3  }
0x94: {  	_ =	strace s3  }
0x95: {  	s3 =	sld [smem:$0x3FFD];
	_ =	sdelay $0x3  }
0x96: {  	_ =	strace s3  }
0x97: {  	_ =	strace $0x8FFFFFFF  }
0x98: {  	s19 =	sld [smem:$0x3FDB];
	_ =	sdelay $0x1  }
0x99: {  	s4 =	simm.s32 $_scs_section_size  }
0x9a: {  	s5 =	simm.s32 $_size__tile_overlayer_lowered;
	s6 =	simm.s32 $_tile_overlayer_lowered  }
0x9b: {  	s22 =	simm.s32 $0x1BFF;
	s21 =	sshll.u32 s6, $0x1;
	s3 =	sadd.s32 s4, s19  }
0x9c: {  	s7 =	simm.s32 $0x0;
	s20 =	sshll.u32 s5, $0x1;
	s5 =	sadd.s32 s21, s3  }
0x9d: {  	[timem:s7], [sflag:s22] =	dma.local [hbm:s5], s20  }
0x9e: {  	_ =	swait.ge [sflag:s22], s20  }
0x9f: {  	s4 =	ssub.s32 $0x0, s20;
	[sflag:s22] =	ssyncset.done $0x0  }
0xa0: {  	[sflag:s22] =	ssyncadd.s32 s4;
	_ =	sdelay $0x1  }
0xa1: {  	s23 =	simm.s32 $0x1B8B  }
0xa2: {  	_ =	swait.ge [sflag:s23], $0x1  }
0xa3: {  	[sflag:s23] =	ssyncset.done $0x0  }
0xa4: {  	s25 =	simm.s32 $0x1B8E;
	s24 =	sld [smem:$0x3FFE];
	[sflag:s23] =	ssyncadd.s32 $0xFFFFFFFF  }
0xa5: {  	s26 =	simm.s32 $execute0_lowered;
	[smem:$0x3FD2] =	sst s25  }
0xa6: {  	s5 =	sshll.u32 s26, $0x1;
	_ =	strace $0x80000046;
	[dreg:$0x1] =	wrdreg $0xFFFFFFFF  }
0xa7: {  	s28 =	simm.s32 $_size_execute0_lowered;
	s3 =	sadd.s32 s3, s5;
	[dreg:$0x0] =	wrdreg $0x0  }
0xa8: {  	s5 =	sshll.u32 s28, $0x1;
	[dreg:$0x2] =	wrdreg s3  }
0xa9: {  	[dreg:$0x3] =	wrdreg s5  }
0xaa: {  	[dreg:$0x4] =	wrdreg $0xC0  }
0xab: {  	_ =	task [dreg:s7], $0x5FFFF  }
0xac: {  	[dreg:$0x1] =	wrdreg $0xFFFFFFFF  }
0xad: {  	[dreg:$0x0] =	wrdreg $0x60  }
0xae: {  	[dreg:$0x2] =	wrdreg s24  }
0xaf: {  	[dreg:$0x3] =	wrdreg s2  }
0xb0: {  	[dreg:$0x4] =	wrdreg $0x9  }
0xb1: {  	_ =	task.clear_ibuf [dreg:s7], $0x5FFFF;
	_ =	strace $0x90000046  }
0xb2: {  	s29 =	simm.s32 $0x9;
	_ =	strace $0x80000048  }
0xb3: {  	_ =	swait.ge [sflag:s29], $0x1  }
0xb4: {  	[sflag:s29] =	ssyncadd.s32 $0xFFFFFFFF  }
0xb5: {  	_ =	strace $0x90000048  }
0xb6: {  	_ =	sfence  }
0xb7: {  	s30 =	sld [smem:$0x0];
	_ =	sdelay $0x2  }
0xb8: {  	s31 =	sshll.u32 s1, $0xD;
	s1 =	sshrl.u32 s1, $0x2  }
0xb9: {  	s3 =	sand.u32 $0x4000, s31;
	s1 =	sadd.s32 s1, s30  }
0xba: {  	s0 =	sor.u32 s3, s0;
	s1 =	sshll.u32 s1, $0x11  }
0xbb: {  	s0 =	sor.u32 s1, s0  }
0xbc: {  	s0 =	sadd.s32 $0x8F2B, s0  }
0xbd: {  	[sflag:s0] =	ssyncadd.remote.s32 $0x1  }
0xbe: {  	_ =	sfence.sel $0xFFFF  }
0xbf: {  	[dreg:$0x0] =	wrdreg $0xFFFFFFFF;
	(pc) =	sbr.abs _section_cstart, $3  }
0xc0: {  	[dreg:$0x1] =	wrdreg $0xFFFFFFFF  }
0xc1: {  	_ =	task.clear_ibuf [dreg:s7], $0x2FFFF;
	_ =	strace $0x9FFFFFFF  }
0xc2: {  	(tm) =	ssettm $0x7FFFFFFF  }
0xc3: {  	_ =	shalt  }
tec
execute0_lowered:
.L_overlay_start_1:
0x0: {  	(tag) =	ssettag $0x1  }
0x1: {  	s0 =	rddreg [dreg:$0x0]  }
0x2: {  	s1 =	rddreg [dreg:$0x1];
	s2 =	srdreg.scid  }
0x3: {  	s10 =	stileid.u32;
	s13 =	simm.s32 $0x5;
	s28 =	simm.s32 $0xC00  }
0x4: {  	s31 =	simm.s32 $0x1400;
	s11 =	simm.s32 $0x3400;
	s15 =	simm.s32 $0x3C00  }
0x5: {  	s16 =	simm.s32 $0x4C00;
	s17 =	simm.s32 $0x5400;
	s18 =	simm.s32 $0x5C00  }
0x6: {  	s14 =	simm.s32 $0x7C00;
	s29 =	simm.s32 $0x8C00;
	s30 =	simm.s32 $0x9400  }
0x7: {  	s12 =	simm.s32 $0xC400;
	s4 =	sand.u32 $0x1, s2;
	s2 =	simm.s32 $0x0  }
0x8: {  	s3 =	sshll.u32 s10, $0xB;
	s23 =	sshll.u32 s10, $0x12;
	s10 =	simm.s32 $0x2C00  }
0x9: {  	s5 =	sshll.u32 s4, $0xA;
	[smem:$0x7FF] =	sst s2;
	s19 =	ssub.s32 $0x2, s4  }
0xa: {  	s4 =	sshll.u32 s4, $0x11;
	s6 =	sor.u32 s5, s3;
	_ =	strace $0x80000047  }
0xb: {  	s8 =	sshrl.u32 s19, $0x1;
	s3 =	sadd.s32 $0x1400, s0;
	s5 =	sadd.s32 $0x1500, s0  }
0xc: {  	s7 =	sshrl.u32 s6, $0x3;
	s8 =	ssub.s32 s19, s8;
	s9 =	sshll.u32 s6, $0x7  }
0xd: {  	s6 =	sadd.s32 $0x1600, s0;
	s19 =	simm.s32 $0x6400;
	s7 =	sadd.s32 s7, s0  }
0xe: {  	s21 =	sadd.s32 s9, s1;
	s1 =	sadd.s32 s23, s1;
	s25 =	smax.u32 s8, $0x1  }
0xf: {  	s8 =	simm.s32 $0x1C00;
	s20 =	sadd.s32 $0x400, s7;
	[dreg:$0x9] =	wrdreg s25  }
0x10: {  	s23 =	simm.s32 $0x1;
	s9 =	sadd.s32 $0x1E000, s21;
	[dreg:$0x4] =	wrdreg s20  }
0x11: {  	s7 =	sadd.s32 $0x1700, s0;
	s22 =	sadd.s32 $0x1E800, s21;
	[dreg:$0x5] =	wrdreg s9  }
0x12: {  	s24 =	sadd.s32 $0x1F000, s21;
	s0 =	sadd.s32 $0x1F800, s21;
	[dreg:$0x6] =	wrdreg s22  }
0x13: {  	s26 =	sadd.s32 s4, s1;
	s1 =	simm.s32 $0x4400;
	[dreg:$0x7] =	wrdreg s24  }
0x14: {  	s21 =	simm.s32 $0x7400;
	s4 =	simm.s32 $0x8400;
	[dreg:$0x8] =	wrdreg s0  }
0x15: {  	v2 =	vlaneseq.u32;
	s25 =	simm.s32 $0x3;
	[dreg:$0x3] =	wrdreg s26;
	s22 =	simm.s32 $0x400  }
0x16: {  	vm0 =	vmmov $0xffff;
	v1 =	vshrl.u32 v2, $0x3;
	s9 =	simm.s32 $0x2400;
	s20 =	simm.s32 $0x6C00;
	s0 =	simm.s32 $0x0  }
0x17: {  	v0 =	vand.u32 $0x7, v2;
	v2 =	vor.u32 $0x8, v2;
	v1 =	vmul.u32 $0x8, v1;
	s24 =	simm.s32 $0x2;
	s26 =	simm.s32 $0x4;
	[dreg:$0xa] =	wrdreg s0  }
.LBB2_1:
0x18: {  	s0 =	rddreg [dreg:$0x4]  }
0x19: {  	[tilespmem:s2], [sflag:$0x5] =	stream.linear.gather [hbm4b:s0+s2], $0x400, $0x38;
	[tilespmem:$0x10400] =	vst v63  }
0x1a: {  	_ =	swait.ge [sflag:s13], $0x400  }
0x1b: {  	[sflag:s13] =	ssyncset.done $0x0  }
0x1c: {  	[sflag:s13] =	ssyncadd.s32 $0xFFFFFC00  }
0x1d: {  	v3 =	vld [tilespmem:$0x0];
	_ =	sdelay $0x4  }
0x1e: {  	v4 =	vshll.u32 v3, $0x3  }
0x1f: {  	v3 =	vand.u32 $0x7, v3;
	v4 =	vand.u32 $0xFFFFFFC0, v4  }
0x20: {  	v3 =	vor.u32 v3, v4  }
0x21: {  	v4 =	vperm.xlane v3, v0;
	_ =	sdelay $0x1  }
0x22: {  	v4 =	vadd.s32 v1, v4;
	_ =	sdelay $0x4  }
0x23: {  	[tilespmem:s22], [sflag:$0x1] =	stream.indirect_vreg.gather [hbm4b:s3+s2], $0x80, v4, vm0, $0xb8;
	[tilespmem:$0x10400] =	vst v63  }
0x24: {  	v3 =	vperm.xlane v3, v2  }
0x25: {  	[tilespmem:s28], [sflag:$0x1] =	stream.indirect_vreg.gather [hbm4b:s5+s2], $0x80, v4, vm0, $0xb8;
	[tilespmem:$0x10400] =	vst v63  }
0x26: {  	v3 =	vadd.s32 v1, v3  }
0x27: {  	[tilespmem:s31], [sflag:$0x1] =	stream.indirect_vreg.gather [hbm4b:s6+s2], $0x80, v4, vm0, $0xb8;
	[tilespmem:$0x10400] =	vst v63  }
0x28: {  	_ = 	snop  }
0x29: {  	[tilespmem:s8], [sflag:$0x1] =	stream.indirect_vreg.gather [hbm4b:s7+s2], $0x80, v4, vm0, $0xb8;
	[tilespmem:$0x10400] =	vst v63  }
0x2a: {  	_ = 	snop  }
0x2b: {  	[tilespmem:s9], [sflag:$0x1] =	stream.indirect_vreg.gather [hbm4b:s3+s2], $0x80, v3, vm0, $0xb8;
	[tilespmem:$0x10400] =	vst v63  }
0x2c: {  	_ = 	snop  }
0x2d: {  	[tilespmem:s10], [sflag:$0x1] =	stream.indirect_vreg.gather [hbm4b:s5+s2], $0x80, v3, vm0, $0xb8;
	[tilespmem:$0x10400] =	vst v63  }
0x2e: {  	_ = 	snop  }
0x2f: {  	[tilespmem:s11], [sflag:$0x1] =	stream.indirect_vreg.gather [hbm4b:s6+s2], $0x80, v3, vm0, $0xb8;
	[tilespmem:$0x10400] =	vst v63  }
0x30: {  	_ = 	snop  }
0x31: {  	[tilespmem:s15], [sflag:$0x1] =	stream.indirect_vreg.gather [hbm4b:s7+s2], $0x80, v3, vm0, $0xb8;
	[tilespmem:$0x10400] =	vst v63  }
0x32: {  	v3 =	vld [tilespmem:$0x10];
	_ =	sdelay $0x4  }
0x33: {  	v61 =	vshll.u32 v3, $0x3  }
0x34: {  	v3 =	vand.u32 $0x7, v3;
	v4 =	vand.u32 $0xFFFFFFC0, v61  }
0x35: {  	v3 =	vor.u32 v3, v4  }
0x36: {  	v4 =	vperm.xlane v3, v0;
	_ =	sdelay $0x1  }
0x37: {  	v4 =	vadd.s32 v1, v4;
	_ =	sdelay $0x4  }
0x38: {  	[tilespmem:s1], [sflag:$0x2] =	stream.indirect_vreg.gather [hbm4b:s3+s2], $0x80, v4, vm0, $0xb8;
	[tilespmem:$0x10400] =	vst v63  }
0x39: {  	v3 =	vperm.xlane v3, v2  }
0x3a: {  	[tilespmem:s16], [sflag:$0x2] =	stream.indirect_vreg.gather [hbm4b:s5+s2], $0x80, v4, vm0, $0xb8;
	[tilespmem:$0x10400] =	vst v63  }
0x3b: {  	v3 =	vadd.s32 v1, v3  }
0x3c: {  	[tilespmem:s17], [sflag:$0x2] =	stream.indirect_vreg.gather [hbm4b:s6+s2], $0x80, v4, vm0, $0xb8;
	[tilespmem:$0x10400] =	vst v63  }
0x3d: {  	_ = 	snop  }
0x3e: {  	[tilespmem:s18], [sflag:$0x2] =	stream.indirect_vreg.gather [hbm4b:s7+s2], $0x80, v4, vm0, $0xb8;
	[tilespmem:$0x10400] =	vst v63  }
0x3f: {  	_ = 	snop  }
0x40: {  	[tilespmem:s19], [sflag:$0x2] =	stream.indirect_vreg.gather [hbm4b:s3+s2], $0x80, v3, vm0, $0xb8;
	[tilespmem:$0x10400] =	vst v63  }
0x41: {  	_ = 	snop  }
0x42: {  	[tilespmem:s20], [sflag:$0x2] =	stream.indirect_vreg.gather [hbm4b:s5+s2], $0x80, v3, vm0, $0xb8;
	[tilespmem:$0x10400] =	vst v63  }
0x43: {  	_ = 	snop  }
0x44: {  	[tilespmem:s21], [sflag:$0x2] =	stream.indirect_vreg.gather [hbm4b:s6+s2], $0x80, v3, vm0, $0xb8;
	[tilespmem:$0x10400] =	vst v63  }
0x45: {  	_ = 	snop  }
0x46: {  	[tilespmem:s14], [sflag:$0x2] =	stream.indirect_vreg.gather [hbm4b:s7+s2], $0x80, v3, vm0, $0xb8;
	[tilespmem:$0x10400] =	vst v63  }
0x47: {  	v3 =	vld [tilespmem:$0x20];
	_ =	sdelay $0x4  }
0x48: {  	v62 =	vshll.u32 v3, $0x3  }
0x49: {  	v3 =	vand.u32 $0x7, v3;
	v4 =	vand.u32 $0xFFFFFFC0, v62  }
0x4a: {  	v3 =	vor.u32 v3, v4  }
0x4b: {  	v4 =	vperm.xlane v3, v0;
	_ =	sdelay $0x1  }
0x4c: {  	v4 =	vadd.s32 v1, v4;
	_ =	sdelay $0x4  }
0x4d: {  	[tilespmem:s4], [sflag:$0x3] =	stream.indirect_vreg.gather [hbm4b:s3+s2], $0x80, v4, vm0, $0xb8;
	[tilespmem:$0x10400] =	vst v63  }
0x4e: {  	v3 =	vperm.xlane v3, v2  }
0x4f: {  	[tilespmem:s29], [sflag:$0x3] =	stream.indirect_vreg.gather [hbm4b:s5+s2], $0x80, v4, vm0, $0xb8;
	[tilespmem:$0x10400] =	vst v63  }
0x50: {  	v3 =	vadd.s32 v1, v3  }
0x51: {  	[tilespmem:s30], [sflag:$0x3] =	stream.indirect_vreg.gather [hbm4b:s6+s2], $0x80, v4, vm0, $0xb8;
	[tilespmem:$0x10400] =	vst v63  }
0x52: {  	s15 =	simm.s32 $0x9C00  }
0x53: {  	[tilespmem:s15], [sflag:$0x3] =	stream.indirect_vreg.gather [hbm4b:s7+s2], $0x80, v4, vm0, $0xb8;
	[tilespmem:$0x10400] =	vst v63  }
0x54: {  	s16 =	simm.s32 $0xA400  }
0x55: {  	[tilespmem:s16], [sflag:$0x3] =	stream.indirect_vreg.gather [hbm4b:s3+s2], $0x80, v3, vm0, $0xb8;
	[tilespmem:$0x10400] =	vst v63  }
0x56: {  	s17 =	simm.s32 $0xAC00  }
0x57: {  	[tilespmem:s17], [sflag:$0x3] =	stream.indirect_vreg.gather [hbm4b:s5+s2], $0x80, v3, vm0, $0xb8;
	[tilespmem:$0x10400] =	vst v63  }
0x58: {  	s18 =	simm.s32 $0xB400  }
0x59: {  	[tilespmem:s18], [sflag:$0x3] =	stream.indirect_vreg.gather [hbm4b:s6+s2], $0x80, v3, vm0, $0xb8;
	[tilespmem:$0x10400] =	vst v63  }
0x5a: {  	s19 =	simm.s32 $0xBC00  }
0x5b: {  	[tilespmem:s19], [sflag:$0x3] =	stream.indirect_vreg.gather [hbm4b:s7+s2], $0x80, v3, vm0, $0xb8;
	[tilespmem:$0x10400] =	vst v63  }
0x5c: {  	v3 =	vld [tilespmem:$0x30];
	_ =	sdelay $0x4  }
0x5d: {  	v63 =	vshll.u32 v3, $0x3  }
0x5e: {  	v3 =	vand.u32 $0x7, v3;
	v4 =	vand.u32 $0xFFFFFFC0, v63  }
0x5f: {  	v3 =	vor.u32 v3, v4  }
0x60: {  	v4 =	vperm.xlane v3, v0;
	_ =	sdelay $0x1  }
0x61: {  	v4 =	vadd.s32 v1, v4;
	_ =	sdelay $0x4  }
0x62: {  	[tilespmem:s12], [sflag:$0x4] =	stream.indirect_vreg.gather [hbm4b:s3+s2], $0x80, v4, vm0, $0xb8;
	[tilespmem:$0x10400] =	vst v63  }
0x63: {  	s20 =	simm.s32 $0xCC00;
	v3 =	vperm.xlane v3, v2  }
0x64: {  	[tilespmem:s20], [sflag:$0x4] =	stream.indirect_vreg.gather [hbm4b:s5+s2], $0x80, v4, vm0, $0xb8;
	[tilespmem:$0x10400] =	vst v63  }
0x65: {  	s22 =	simm.s32 $0xDC00;
	s28 =	simm.s32 $0x70;
	s21 =	simm.s32 $0xD400;
	v3 =	vadd.s32 v1, v3  }
0x66: {  	[tilespmem:s21], [sflag:$0x4] =	stream.indirect_vreg.gather [hbm4b:s6+s2], $0x80, v4, vm0, $0xb8;
	[tilespmem:$0x10400] =	vst v63  }
0x67: {  	s31 =	simm.s32 $0xEC00;
	s8 =	simm.s32 $0x8C00;
	s9 =	simm.s32 $0x9400  }
0x68: {  	[tilespmem:s22], [sflag:$0x4] =	stream.indirect_vreg.gather [hbm4b:s7+s2], $0x80, v4, vm0, $0xb8;
	[tilespmem:$0x10400] =	vst v63  }
0x69: {  	s10 =	simm.s32 $0xF400;
	s11 =	simm.s32 $0xFC00;
	s30 =	simm.s32 $0xE400  }
0x6a: {  	[tilespmem:s30], [sflag:$0x4] =	stream.indirect_vreg.gather [hbm4b:s3+s2], $0x80, v3, vm0, $0xb8;
	[tilespmem:$0x10400] =	vst v63  }
0x6b: {  	s14 =	simm.s32 $0x7C00;
	s29 =	simm.s32 $0x0;
	s15 =	simm.s32 $0x3C00  }
0x6c: {  	[tilespmem:s31], [sflag:$0x4] =	stream.indirect_vreg.gather [hbm4b:s5+s2], $0x80, v3, vm0, $0xb8;
	[tilespmem:$0x10400] =	vst v63  }
0x6d: {  	s16 =	simm.s32 $0x4C00;
	s17 =	simm.s32 $0x5400;
	s18 =	simm.s32 $0x5C00  }
0x6e: {  	[tilespmem:s10], [sflag:$0x4] =	stream.indirect_vreg.gather [hbm4b:s6+s2], $0x80, v3, vm0, $0xb8;
	[tilespmem:$0x10400] =	vst v63  }
0x6f: {  	s19 =	simm.s32 $0x6400;
	s20 =	simm.s32 $0x6C00;
	s21 =	simm.s32 $0x7400  }
0x70: {  	[tilespmem:s11], [sflag:$0x4] =	stream.indirect_vreg.gather [hbm4b:s7+s2], $0x80, v3, vm0, $0xb8;
	[tilespmem:$0x10400] =	vst v63  }
.LBB2_2:
0x71: {  	_ =	swait.ge [sflag:s23], $0x4000  }
0x72: {  	s30 =	rddreg [dreg:$0x3];
	[sflag:s23] =	ssyncset.done $0x0  }
0x73: {  	s0 =	simm.s32 $0x400;
	[sflag:s23] =	ssyncadd.s32 $0xFFFFC000;
	s30 =	sadd.s32 s29, s30  }
0x74: {  	[hbm4b:s30+s2] =	stream.linear.scatter [tilespmem:s0], [sflag:$0x5], $0x4000, $0x38;
	[tilespmem:$0x10400] =	vst v63  }
0x75: {  	_ =	swait.ge [sflag:s13], $0x4000  }
0x76: {  	[sflag:s13] =	ssyncset.done $0x0  }
0x77: {  	[sflag:s13] =	ssyncadd.s32 $0xFFFFC000  }
0x78: {  	v3 =	vld [tilespmem:s28+$0xFFFFFFD0];
	_ =	sdelay $0x4  }
0x79: {  	v4 =	vshll.u32 v3, $0x3  }
0x7a: {  	v3 =	vand.u32 $0x7, v3;
	v4 =	vand.u32 $0xFFFFFFC0, v4  }
0x7b: {  	v3 =	vor.u32 v3, v4  }
0x7c: {  	v4 =	vperm.xlane v3, v0;
	_ =	sdelay $0x1  }
0x7d: {  	v4 =	vadd.s32 v1, v4;
	_ =	sdelay $0x4  }
0x7e: {  	[tilespmem:s0], [sflag:$0x1] =	stream.indirect_vreg.gather [hbm4b:s3+s2], $0x80, v4, vm0, $0xb8;
	[tilespmem:$0x10400] =	vst v63  }
0x7f: {  	s1 =	simm.s32 $0xC00;
	v3 =	vperm.xlane v3, v2  }
0x80: {  	[tilespmem:s1], [sflag:$0x1] =	stream.indirect_vreg.gather [hbm4b:s5+s2], $0x80, v4, vm0, $0xb8;
	[tilespmem:$0x10400] =	vst v63  }
0x81: {  	s4 =	simm.s32 $0x1400;
	v3 =	vadd.s32 v1, v3  }
0x82: {  	[tilespmem:s4], [sflag:$0x1] =	stream.indirect_vreg.gather [hbm4b:s6+s2], $0x80, v4, vm0, $0xb8;
	[tilespmem:$0x10400] =	vst v63  }
0x83: {  	s31 =	simm.s32 $0x1C00  }
0x84: {  	[tilespmem:s31], [sflag:$0x1] =	stream.indirect_vreg.gather [hbm4b:s7+s2], $0x80, v4, vm0, $0xb8;
	[tilespmem:$0x10400] =	vst v63  }
0x85: {  	s1 =	simm.s32 $0x2400  }
0x86: {  	[tilespmem:s1], [sflag:$0x1] =	stream.indirect_vreg.gather [hbm4b:s3+s2], $0x80, v3, vm0, $0xb8;
	[tilespmem:$0x10400] =	vst v63  }
0x87: {  	s4 =	simm.s32 $0x2C00  }
0x88: {  	[tilespmem:s4], [sflag:$0x1] =	stream.indirect_vreg.gather [hbm4b:s5+s2], $0x80, v3, vm0, $0xb8;
	[tilespmem:$0x10400] =	vst v63  }
0x89: {  	s31 =	simm.s32 $0x3400  }
0x8a: {  	[tilespmem:s31], [sflag:$0x1] =	stream.indirect_vreg.gather [hbm4b:s6+s2], $0x80, v3, vm0, $0xb8;
	[tilespmem:$0x10400] =	vst v63  }
0x8b: {  	_ = 	snop  }
0x8c: {  	[tilespmem:s15], [sflag:$0x1] =	stream.indirect_vreg.gather [hbm4b:s7+s2], $0x80, v3, vm0, $0xb8;
	[tilespmem:$0x10400] =	vst v63  }
0x8d: {  	_ =	swait.ge [sflag:s24], $0x4000  }
0x8e: {  	[sflag:s24] =	ssyncset.done $0x0  }
0x8f: {  	s1 =	sadd.s32 $0x800, s30;
	s4 =	simm.s32 $0x4400;
	[sflag:s24] =	ssyncadd.s32 $0xFFFFC000  }
0x90: {  	[hbm4b:s1+s2] =	stream.linear.scatter [tilespmem:s4], [sflag:$0x5], $0x4000, $0x38;
	[tilespmem:$0x10400] =	vst v63  }
0x91: {  	_ =	swait.ge [sflag:s13], $0x4000  }
0x92: {  	[sflag:s13] =	ssyncset.done $0x0  }
0x93: {  	[sflag:s13] =	ssyncadd.s32 $0xFFFFC000  }
0x94: {  	v3 =	vld [tilespmem:s28+$0xFFFFFFE0];
	_ =	sdelay $0x4  }
0x95: {  	v61 =	vshll.u32 v3, $0x3  }
0x96: {  	v3 =	vand.u32 $0x7, v3;
	v4 =	vand.u32 $0xFFFFFFC0, v61  }
0x97: {  	v3 =	vor.u32 v3, v4  }
0x98: {  	v4 =	vperm.xlane v3, v0;
	_ =	sdelay $0x1  }
0x99: {  	v4 =	vadd.s32 v1, v4;
	_ =	sdelay $0x4  }
0x9a: {  	[tilespmem:s4], [sflag:$0x2] =	stream.indirect_vreg.gather [hbm4b:s3+s2], $0x80, v4, vm0, $0xb8;
	[tilespmem:$0x10400] =	vst v63  }
0x9b: {  	v3 =	vperm.xlane v3, v2  }
0x9c: {  	[tilespmem:s16], [sflag:$0x2] =	stream.indirect_vreg.gather [hbm4b:s5+s2], $0x80, v4, vm0, $0xb8;
	[tilespmem:$0x10400] =	vst v63  }
0x9d: {  	v3 =	vadd.s32 v1, v3  }
0x9e: {  	[tilespmem:s17], [sflag:$0x2] =	stream.indirect_vreg.gather [hbm4b:s6+s2], $0x80, v4, vm0, $0xb8;
	[tilespmem:$0x10400] =	vst v63  }
0x9f: {  	_ = 	snop  }
0xa0: {  	[tilespmem:s18], [sflag:$0x2] =	stream.indirect_vreg.gather [hbm4b:s7+s2], $0x80, v4, vm0, $0xb8;
	[tilespmem:$0x10400] =	vst v63  }
0xa1: {  	_ = 	snop  }
0xa2: {  	[tilespmem:s19], [sflag:$0x2] =	stream.indirect_vreg.gather [hbm4b:s3+s2], $0x80, v3, vm0, $0xb8;
	[tilespmem:$0x10400] =	vst v63  }
0xa3: {  	_ = 	snop  }
0xa4: {  	[tilespmem:s20], [sflag:$0x2] =	stream.indirect_vreg.gather [hbm4b:s5+s2], $0x80, v3, vm0, $0xb8;
	[tilespmem:$0x10400] =	vst v63  }
0xa5: {  	_ = 	snop  }
0xa6: {  	[tilespmem:s21], [sflag:$0x2] =	stream.indirect_vreg.gather [hbm4b:s6+s2], $0x80, v3, vm0, $0xb8;
	[tilespmem:$0x10400] =	vst v63  }
0xa7: {  	_ = 	snop  }
0xa8: {  	[tilespmem:s14], [sflag:$0x2] =	stream.indirect_vreg.gather [hbm4b:s7+s2], $0x80, v3, vm0, $0xb8;
	[tilespmem:$0x10400] =	vst v63  }
0xa9: {  	_ =	swait.ge [sflag:s25], $0x4000  }
0xaa: {  	[sflag:s25] =	ssyncset.done $0x0  }
0xab: {  	s31 =	simm.s32 $0x8400;
	s4 =	sadd.s32 $0x1000, s30;
	[sflag:s25] =	ssyncadd.s32 $0xFFFFC000  }
0xac: {  	[hbm4b:s4+s2] =	stream.linear.scatter [tilespmem:s31], [sflag:$0x5], $0x4000, $0x38;
	[tilespmem:$0x10400] =	vst v63  }
0xad: {  	_ =	swait.ge [sflag:s13], $0x4000  }
0xae: {  	[sflag:s13] =	ssyncset.done $0x0  }
0xaf: {  	[sflag:s13] =	ssyncadd.s32 $0xFFFFC000  }
0xb0: {  	v3 =	vld [tilespmem:s28+$0xFFFFFFF0];
	_ =	sdelay $0x4  }
0xb1: {  	v62 =	vshll.u32 v3, $0x3  }
0xb2: {  	v3 =	vand.u32 $0x7, v3;
	v4 =	vand.u32 $0xFFFFFFC0, v62  }
0xb3: {  	v3 =	vor.u32 v3, v4  }
0xb4: {  	v4 =	vperm.xlane v3, v0;
	_ =	sdelay $0x1  }
0xb5: {  	v4 =	vadd.s32 v1, v4;
	_ =	sdelay $0x4  }
0xb6: {  	[tilespmem:s31], [sflag:$0x3] =	stream.indirect_vreg.gather [hbm4b:s3+s2], $0x80, v4, vm0, $0xb8;
	[tilespmem:$0x10400] =	vst v63  }
0xb7: {  	v3 =	vperm.xlane v3, v2  }
0xb8: {  	[tilespmem:s8], [sflag:$0x3] =	stream.indirect_vreg.gather [hbm4b:s5+s2], $0x80, v4, vm0, $0xb8;
	[tilespmem:$0x10400] =	vst v63  }
0xb9: {  	v3 =	vadd.s32 v1, v3  }
0xba: {  	[tilespmem:s9], [sflag:$0x3] =	stream.indirect_vreg.gather [hbm4b:s6+s2], $0x80, v4, vm0, $0xb8;
	[tilespmem:$0x10400] =	vst v63  }
0xbb: {  	s31 =	simm.s32 $0x9C00  }
0xbc: {  	[tilespmem:s31], [sflag:$0x3] =	stream.indirect_vreg.gather [hbm4b:s7+s2], $0x80, v4, vm0, $0xb8;
	[tilespmem:$0x10400] =	vst v63  }
0xbd: {  	s31 =	simm.s32 $0xA400  }
0xbe: {  	[tilespmem:s31], [sflag:$0x3] =	stream.indirect_vreg.gather [hbm4b:s3+s2], $0x80, v3, vm0, $0xb8;
	[tilespmem:$0x10400] =	vst v63  }
0xbf: {  	s31 =	simm.s32 $0xAC00  }
0xc0: {  	[tilespmem:s31], [sflag:$0x3] =	stream.indirect_vreg.gather [hbm4b:s5+s2], $0x80, v3, vm0, $0xb8;
	[tilespmem:$0x10400] =	vst v63  }
0xc1: {  	s31 =	simm.s32 $0xB400  }
0xc2: {  	[tilespmem:s31], [sflag:$0x3] =	stream.indirect_vreg.gather [hbm4b:s6+s2], $0x80, v3, vm0, $0xb8;
	[tilespmem:$0x10400] =	vst v63  }
0xc3: {  	s31 =	simm.s32 $0xBC00  }
0xc4: {  	[tilespmem:s31], [sflag:$0x3] =	stream.indirect_vreg.gather [hbm4b:s7+s2], $0x80, v3, vm0, $0xb8;
	[tilespmem:$0x10400] =	vst v63  }
0xc5: {  	_ =	swait.ge [sflag:s26], $0x4000  }
0xc6: {  	[sflag:s26] =	ssyncset.done $0x0  }
0xc7: {  	s30 =	sadd.s32 $0x1800, s30;
	[sflag:s26] =	ssyncadd.s32 $0xFFFFC000  }
0xc8: {  	[hbm4b:s30+s2] =	stream.linear.scatter [tilespmem:s12], [sflag:$0x5], $0x4000, $0x38;
	[tilespmem:$0x10400] =	vst v63  }
0xc9: {  	_ =	swait.ge [sflag:s13], $0x4000  }
0xca: {  	[sflag:s13] =	ssyncset.done $0x0  }
0xcb: {  	[sflag:s13] =	ssyncadd.s32 $0xFFFFC000  }
0xcc: {  	v3 =	vld [tilespmem:s28+$0x0];
	_ =	sdelay $0x4  }
0xcd: {  	v63 =	vshll.u32 v3, $0x3  }
0xce: {  	v3 =	vand.u32 $0x7, v3;
	v4 =	vand.u32 $0xFFFFFFC0, v63  }
0xcf: {  	v3 =	vor.u32 v3, v4  }
0xd0: {  	v4 =	vperm.xlane v3, v0;
	_ =	sdelay $0x1  }
0xd1: {  	v4 =	vadd.s32 v1, v4;
	_ =	sdelay $0x4  }
0xd2: {  	[tilespmem:s12], [sflag:$0x4] =	stream.indirect_vreg.gather [hbm4b:s3+s2], $0x80, v4, vm0, $0xb8;
	[tilespmem:$0x10400] =	vst v63  }
0xd3: {  	s31 =	simm.s32 $0xCC00;
	v3 =	vperm.xlane v3, v2  }
0xd4: {  	[tilespmem:s31], [sflag:$0x4] =	stream.indirect_vreg.gather [hbm4b:s5+s2], $0x80, v4, vm0, $0xb8;
	[tilespmem:$0x10400] =	vst v63  }
0xd5: {  	s30 =	simm.s32 $0xD400;
	v3 =	vadd.s32 v1, v3  }
0xd6: {  	[tilespmem:s30], [sflag:$0x4] =	stream.indirect_vreg.gather [hbm4b:s6+s2], $0x80, v4, vm0, $0xb8;
	[tilespmem:$0x10400] =	vst v63  }
0xd7: {  	s31 =	simm.s32 $0xDC00  }
0xd8: {  	[tilespmem:s31], [sflag:$0x4] =	stream.indirect_vreg.gather [hbm4b:s7+s2], $0x80, v4, vm0, $0xb8;
	[tilespmem:$0x10400] =	vst v63  }
0xd9: {  	s30 =	simm.s32 $0xE400  }
0xda: {  	[tilespmem:s30], [sflag:$0x4] =	stream.indirect_vreg.gather [hbm4b:s3+s2], $0x80, v3, vm0, $0xb8;
	[tilespmem:$0x10400] =	vst v63  }
0xdb: {  	p0 =	sne.s32 s29, $0x1C000;
	s31 =	simm.s32 $0xEC00  }
0xdc: {  	[tilespmem:s31], [sflag:$0x4] =	stream.indirect_vreg.gather [hbm4b:s5+s2], $0x80, v3, vm0, $0xb8;
	[tilespmem:$0x10400] =	vst v63  }
.Ltmp0:
0xdd: {  	_ = 	snop;
	(pc) =	sbr.rel @p0 .LBB2_2-.Ltmp0, $4  }
0xde: {  	s22 =	simm.s32 $0x400;
	s29 =	sadd.s32 $0x2000, s29  }
0xdf: {  	[tilespmem:s10], [sflag:$0x4] =	stream.indirect_vreg.gather [hbm4b:s6+s2], $0x80, v3, vm0, $0xb8;
	[tilespmem:$0x10400] =	vst v63  }
0xe0: {  	s1 =	simm.s32 $0x4400;
	s4 =	simm.s32 $0x8400;
	s28 =	sadd.s32 $0x40, s28  }
0xe1: {  	[tilespmem:s11], [sflag:$0x4] =	stream.indirect_vreg.gather [hbm4b:s7+s2], $0x80, v3, vm0, $0xb8;
	[tilespmem:$0x10400] =	vst v63  }
0xe2: {  	_ =	swait.ge [sflag:s23], $0x4000  }
0xe3: {  	[sflag:s23] =	ssyncset.done $0x0  }
0xe4: {  	s0 =	rddreg [dreg:$0x5];
	[sflag:s23] =	ssyncadd.s32 $0xFFFFC000  }
0xe5: {  	[hbm4b:s0+s2] =	stream.linear.scatter [tilespmem:s22], [sflag:$0x5], $0x4000, $0x38;
	[tilespmem:$0x10400] =	vst v63  }
0xe6: {  	_ =	swait.ge [sflag:s13], $0x4000  }
0xe7: {  	[sflag:s13] =	ssyncset.done $0x0  }
0xe8: {  	[sflag:s13] =	ssyncadd.s32 $0xFFFFC000  }
0xe9: {  	_ =	swait.ge [sflag:s24], $0x4000  }
0xea: {  	[sflag:s24] =	ssyncset.done $0x0  }
0xeb: {  	s18 =	rddreg [dreg:$0x6];
	[sflag:s24] =	ssyncadd.s32 $0xFFFFC000  }
0xec: {  	[hbm4b:s18+s2] =	stream.linear.scatter [tilespmem:s1], [sflag:$0x5], $0x4000, $0x38;
	[tilespmem:$0x10400] =	vst v63  }
0xed: {  	_ =	swait.ge [sflag:s13], $0x4000  }
0xee: {  	[sflag:s13] =	ssyncset.done $0x0  }
0xef: {  	[sflag:s13] =	ssyncadd.s32 $0xFFFFC000  }
0xf0: {  	_ =	swait.ge [sflag:s25], $0x4000  }
0xf1: {  	[sflag:s25] =	ssyncset.done $0x0  }
0xf2: {  	s19 =	rddreg [dreg:$0x7];
	[sflag:s25] =	ssyncadd.s32 $0xFFFFC000  }
0xf3: {  	[hbm4b:s19+s2] =	stream.linear.scatter [tilespmem:s4], [sflag:$0x5], $0x4000, $0x38;
	[tilespmem:$0x10400] =	vst v63  }
0xf4: {  	_ =	swait.ge [sflag:s13], $0x4000  }
0xf5: {  	[sflag:s13] =	ssyncset.done $0x0  }
0xf6: {  	[sflag:s13] =	ssyncadd.s32 $0xFFFFC000  }
0xf7: {  	_ =	swait.ge [sflag:s26], $0x4000  }
0xf8: {  	[sflag:s26] =	ssyncset.done $0x0  }
0xf9: {  	s20 =	rddreg [dreg:$0x8];
	[sflag:s26] =	ssyncadd.s32 $0xFFFFC000  }
0xfa: {  	[hbm4b:s20+s2] =	stream.linear.scatter [tilespmem:s12], [sflag:$0x5], $0x4000, $0x38;
	[tilespmem:$0x10400] =	vst v63  }
0xfb: {  	_ =	swait.ge [sflag:s13], $0x4000  }
0xfc: {  	s28 =	simm.s32 $0xC00;
	s31 =	simm.s32 $0x1400;
	s8 =	rddreg [dreg:$0xa]  }
0xfd: {  	s9 =	simm.s32 $0x2400;
	s21 =	rddreg [dreg:$0x9];
	s8 =	sadd.s32 $0x1, s8  }
0xfe: {  	s10 =	simm.s32 $0x2C00;
	s11 =	simm.s32 $0x3400;
	p0 =	sne.s32 s8, s21  }
.Ltmp1:
0xff: {  	s15 =	simm.s32 $0x3C00;
	s16 =	simm.s32 $0x4C00;
	(pc) =	sbr.rel @p0 .LBB2_1-.Ltmp1, $4  }
0x100: {  	s17 =	simm.s32 $0x5400;
	s14 =	simm.s32 $0x7C00;
	s29 =	simm.s32 $0x8C00  }
0x101: {  	s30 =	simm.s32 $0x9400;
	s18 =	simm.s32 $0x5C00;
	[sflag:s13] =	ssyncset.done $0x0  }
0x102: {  	s19 =	simm.s32 $0x6400;
	s20 =	simm.s32 $0x6C00;
	[sflag:s13] =	ssyncadd.s32 $0xFFFFC000  }
0x103: {  	[dreg:$0xa] =	wrdreg s8;
	s8 =	simm.s32 $0x1C00;
	s21 =	simm.s32 $0x7400  }
0x104: {  	_ =	sfence.sel $0x180000  }
0x105: {  	[bflag:$0x0] =	sbarrier.arrive $0xFFFF  }
0x106: {  	_ =	strace $0x90000047  }
0x107: {  	s0 =	stileid.u32;
	[bflag:$0x2] =	sbarrier.arrive $0xFFFF  }
0x108: {  	p0 =	sne.s32 s0, $0x0;
	s0 =	rddreg [dreg:$0x2]  }
0x109: {  	s0 =	sadd.s32 @!p0 $0x100000, s0  }
0x10a: {  	[sflag:s0] =	ssyncadd.tile.s32 @!p0 $0x1;
	_ =	shalt  }
.Lfunc_end2:
_tile_overlayer_lowered:
.L_overlay_start_2:
0x10b: {  	(tag) =	ssettag $0x2  }
0x10c: {  	s0 =	rddreg [dreg:$0x0];
	s2 =	stileid.u32  }
0x10d: {  	s1 =	rddreg [dreg:$0x1];
	p0 =	sne.s32 s2, $0x0  }
0x10e: {  	s3 =	rddreg [dreg:$0x2];
	[bflag:$0x3] =	sbarrier.arrive $0xFFFF;
	s2 =	simm.s32 @!p0 $0x1C05  }
0x10f: {  	[timem:s3], [sflag:s2] =	dma.local @!p0 [hbm:s0], s1  }
0x110: {  	s0 =	simm.s32 @!p0 $0x5  }
0x111: {  	_ =	swait.ge @!p0 [sflag:s0], s1  }
0x112: {  	s1 =	ssub.s32 @!p0 $0x0, s1;
	[sflag:s0] =	ssyncset.done @!p0 $0x0  }
0x113: {  	[sflag:s0] =	ssyncadd.s32 @!p0 s1  }
0x114: {  	[bflag:$0x3] =	sbarrier.arrive $0xFFFF  }
0x115: {  	_ =	shalt  }

</sc_bundles>
